<compile_context>
chip_gen: v7x
topology: tpu7x:2x2x1
jax: 0.10.2.dev20260603
libtpu: 0.0.44.dev20260713+nightly
codegen_flags: <defaults>
</compile_context>

<pallas_src>
import functools

import jax
import jax.numpy as jnp
from jax import lax
from jax.experimental import pallas as pl
from jax.experimental.pallas import tpu as pltpu
from jax.experimental.pallas import tpu_sc as plsc

B_, N_, T_, E_ = 4, 512, 1024, 32768
D_IN_, D_EDGE_IN_, D_NODE_, D_EDGE_ = 8, 8, 128, 16

NC, NS, L = 2, 16, 16
CELLS = B_ * N_ * N_
HALF = CELLS // NC
NPASS = 32
CHUNK = HALF // NPASS
RPT = CHUNK // NS
EPT = E_ // NS
NDUMP = 1024
VPT = EPT // L
ZR = 512
Z1 = 4096
CPT = HALF // NS


def _lane():
    return lax.iota(jnp.int32, L)


_sc_mesh = plsc.VectorSubcoreMesh(core_axis_name="c", subcore_axis_name="s")


@functools.partial(
    pl.kernel,
    mesh=_sc_mesh,
    compiler_params=pltpu.CompilerParams(needs_layout_passes=False,
                                         use_tc_tiling_on_sc=False),
    out_type=[jax.ShapeDtypeStruct((CELLS, 16), jnp.float32),
              jax.ShapeDtypeStruct((CELLS,), jnp.float32)],
    scratch_types=[
        pltpu.VMEM((EPT,), jnp.int32),
        pltpu.VMEM((EPT,), jnp.int32),
        pltpu.VMEM((EPT, 16), jnp.float32),
        pltpu.VMEM((T_,), jnp.int32),
        pltpu.VMEM((EPT,), jnp.int32),
        pltpu.VMEM((EPT,), jnp.float32),
        pltpu.VMEM((EPT // 128, 128), jnp.int32),
        pltpu.VMEM((ZR, 16), jnp.float32),
        pltpu.VMEM((Z1,), jnp.float32),
        pltpu.VMEM_SHARED((2 * (CHUNK + NDUMP), 16), jnp.float32),
        pltpu.VMEM_SHARED((HALF + NDUMP,), jnp.float32),
        pltpu.SemaphoreType.DMA,
        pltpu.SemaphoreType.DMA,
        pltpu.SemaphoreType.DMA,
        pltpu.SemaphoreType.DMA,
    ],
)
def _sc_scatter(src_hbm, dst_hbm, rows_hbm, bid_hbm, acc_hbm, cnt_hbm,
                src_v, dst_v, row_v, bid_v, cell_v, ones_v, idx_v, zrow_v,
                z1d_v, a_sh, c_sh, dsem, zsem, osem, csem):
    c = lax.axis_index("c")
    s = lax.axis_index("s")
    lane = _lane()
    zero16f = jnp.zeros((L,), jnp.float32)

    e0 = s * EPT
    pltpu.async_copy(src_hbm.at[pl.ds(e0, EPT)], src_v, osem)
    pltpu.async_copy(dst_hbm.at[pl.ds(e0, EPT)], dst_v, osem)
    pltpu.async_copy(rows_hbm.at[pl.ds(e0, EPT), :], row_v, osem)
    pltpu.async_copy(bid_hbm, bid_v, osem)

    def zfill(j, _):
        zrow_v[j, :] = zero16f
        return 0

    lax.fori_loop(0, ZR, zfill, 0)

    def zfill1(j, _):
        plsc.store_scatter(z1d_v, [j * L + lane], zero16f)
        return 0

    lax.fori_loop(0, Z1 // L, zfill1, 0)

    def onesfill(j, _):
        plsc.store_scatter(ones_v, [j * L + lane], zero16f + 1.0)
        return 0

    lax.fori_loop(0, EPT // L, onesfill, 0)

    def czero(z, _):
        pltpu.async_copy(z1d_v, c_sh.at[pl.ds(s * CPT + z * Z1, Z1)], zsem)
        return 0

    lax.fori_loop(0, CPT // Z1, czero, 0)

    pltpu.make_async_copy(src_hbm.at[pl.ds(e0, EPT)], src_v, osem).wait()
    pltpu.make_async_copy(dst_hbm.at[pl.ds(e0, EPT)], dst_v, osem).wait()
    pltpu.make_async_copy(rows_hbm.at[pl.ds(e0, EPT), :], row_v, osem).wait()
    pltpu.make_async_copy(bid_hbm, bid_v, osem).wait()

    def obody(j, acc):
        v = plsc.load_gather(bid_v, [j * L + lane])
        a1, a2, a3 = acc
        return (a1 + (v < 1).astype(jnp.int32),
                a2 + (v < 2).astype(jnp.int32),
                a3 + (v < 3).astype(jnp.int32))

    z16 = jnp.zeros((L,), jnp.int32)
    a1, a2, a3 = lax.fori_loop(0, T_ // L, obody, (z16, z16, z16))
    off1 = jnp.sum(a1)
    off2 = jnp.sum(a2)
    off3 = jnp.sum(a3)

    def cbody(j, _):
        ii = j * L + lane
        sv = plsc.load_gather(src_v, [ii])
        dv = plsc.load_gather(dst_v, [ii])
        bs = ((sv >= off1).astype(jnp.int32) + (sv >= off2).astype(jnp.int32)
              + (sv >= off3).astype(jnp.int32))
        bd = ((dv >= off1).astype(jnp.int32) + (dv >= off2).astype(jnp.int32)
              + (dv >= off3).astype(jnp.int32))
        os_ = ((bs == 1).astype(jnp.int32) * off1 + (bs == 2).astype(jnp.int32) * off2
               + (bs == 3).astype(jnp.int32) * off3)
        od_ = ((bd == 1).astype(jnp.int32) * off1 + (bd == 2).astype(jnp.int32) * off2
               + (bd == 3).astype(jnp.int32) * off3)
        sl = sv - os_
        dl = dv - od_
        ok = (bs == bd) & (sl < N_) & (dl < N_)
        cell = jnp.where(ok, bs * (N_ * N_) + sl * N_ + dl, 1 << 30)
        plsc.store_scatter(cell_v, [ii], cell)
        return 0

    lax.fori_loop(0, VPT, cbody, 0)

    half0 = c * HALF

    def czdrain(z, _):
        pltpu.make_async_copy(z1d_v, c_sh.at[pl.ds(s * CPT, Z1)], zsem).wait()
        return 0

    lax.fori_loop(0, CPT // Z1, czdrain, 0)
    plsc.subcore_barrier()

    def crbody(r, _):
        def cibody(q, _):
            g = r * 128 + q * L
            cell = plsc.load_gather(cell_v, [g + lane])
            loc = cell - half0
            ok = (loc >= 0) & (loc < HALF)
            dump = HALF + ((g + lane) & (NDUMP - 1))
            idx = jnp.where(ok, loc, dump)
            plsc.store_scatter(idx_v, [lane * 0 + r, q * L + lane], idx)
            return 0

        lax.fori_loop(0, 128 // L, cibody, 0)
        pltpu.async_copy(ones_v.at[pl.ds(r * 128, 128)],
                         c_sh.at[idx_v.at[r]], dsem, add=True)
        return 0

    lax.fori_loop(0, EPT // 128, crbody, 0)

    def cdrain(r, _):
        pltpu.make_async_copy(ones_v.at[pl.ds(0, 128)],
                              c_sh.at[idx_v.at[0]], dsem).wait()
        return 0

    lax.fori_loop(0, EPT // 128, cdrain, 0)
    plsc.subcore_barrier()
    pltpu.async_copy(c_sh.at[pl.ds(s * CPT, CPT)],
                     cnt_hbm.at[pl.ds(half0 + s * CPT, CPT)], csem)

    def pbody(p, _):
        base = half0 + p * CHUNK
        boff = lax.rem(p, 2) * (CHUNK + NDUMP)

        @pl.when(p >= 2)
        def _():
            pltpu.make_async_copy(
                a_sh.at[pl.ds(boff + s * RPT, RPT), :],
                acc_hbm.at[pl.ds(base - 2 * CHUNK + s * RPT, RPT), :],
                osem).wait()

        pltpu.async_copy(zrow_v, a_sh.at[pl.ds(boff + s * RPT, ZR), :], zsem)
        pltpu.async_copy(zrow_v, a_sh.at[pl.ds(boff + s * RPT + ZR, ZR), :],
                         zsem)

        def rbody(r, _):
            def ibody(q, _):
                g = r * 128 + q * L
                ii = g + lane
                cell = plsc.load_gather(cell_v, [ii])
                loc = cell - base
                ok = (loc >= 0) & (loc < CHUNK)
                dump = CHUNK + ((g + lane) & (NDUMP - 1))
                idx = boff + jnp.where(ok, loc, dump)
                plsc.store_scatter(idx_v, [lane * 0 + r, q * L + lane], idx)
                return 0

            lax.fori_loop(0, 128 // L, ibody, 0)
            return 0

        lax.fori_loop(0, EPT // 128, rbody, 0)
        pltpu.make_async_copy(zrow_v, a_sh.at[pl.ds(boff + s * RPT, ZR), :],
                              zsem).wait()
        pltpu.make_async_copy(zrow_v, a_sh.at[pl.ds(boff + s * RPT, ZR), :],
                              zsem).wait()
        plsc.subcore_barrier()

        def rfire(r, _):
            pltpu.async_copy(row_v.at[pl.ds(r * 128, 128), :],
                             a_sh.at[idx_v.at[r]], dsem, add=True)
            return 0

        lax.fori_loop(0, EPT // 128, rfire, 0)

        def rdrain(r, _):
            pltpu.make_async_copy(row_v.at[pl.ds(0, 128), :],
                                  a_sh.at[idx_v.at[0]], dsem).wait()
            return 0

        lax.fori_loop(0, EPT // 128, rdrain, 0)
        plsc.subcore_barrier()
        pltpu.async_copy(a_sh.at[pl.ds(boff + s * RPT, RPT), :],
                         acc_hbm.at[pl.ds(base + s * RPT, RPT), :], osem)
        return 0

    lax.fori_loop(0, NPASS, pbody, 0)

    def odrain(r, _):
        pltpu.make_async_copy(a_sh.at[pl.ds(s * RPT, RPT), :],
                              acc_hbm.at[pl.ds(s * RPT, RPT), :], osem).wait()
        return 0

    lax.fori_loop(0, 2, odrain, 0)
    pltpu.make_async_copy(c_sh.at[pl.ds(s * CPT, CPT)],
                          cnt_hbm.at[pl.ds(half0 + s * CPT, CPT)], csem).wait()


CB = 16384


def _edge_body(a_ref, ww_ref, bw_ref, we_ref, be_ref, eh_ref):
    blk = a_ref[...]
    m_in = jnp.concatenate(
        [ww_ref[...], bw_ref[...][None, :], jnp.zeros((7, 16), jnp.float32)], axis=0)
    m = jnp.dot(m_in, we_ref[...], preferred_element_type=jnp.float32)
    z16 = jnp.zeros((16, 16), jnp.float32)
    mbig = jnp.concatenate(
        [jnp.concatenate([m if i == j else z16 for j in range(8)], axis=1)
         for i in range(8)], axis=0)
    ri = lax.broadcasted_iota(jnp.int32, (128, 128), 0)
    ci = lax.broadcasted_iota(jnp.int32, (128, 128), 1)
    sbig = ((ri % 16 == 8) & (ri // 16 == ci // 16)).astype(jnp.float32)
    be_t = jnp.concatenate([be_ref[...][None, :]] * 8, axis=1)
    prod = jnp.dot(blk, mbig, preferred_element_type=jnp.float32)
    cnt = jnp.dot(blk, sbig, preferred_element_type=jnp.float32)
    eh_ref[...] = (prod + be_t) * cnt


CB8 = 4096


def _edge_dense(acc2, W_weight, b_weight, W_edge, b_edge):
    grid = (CELLS // 8 // CB8,)
    return pl.pallas_call(
        _edge_body,
        grid=grid,
        in_specs=[
            pl.BlockSpec((CB8, 128), lambda i: (i, 0)),
            pl.BlockSpec((8, 16), lambda i: (0, 0)),
            pl.BlockSpec((16,), lambda i: (0,)),
            pl.BlockSpec((16, 16), lambda i: (0, 0)),
            pl.BlockSpec((16,), lambda i: (0,)),
        ],
        out_specs=pl.BlockSpec((CB8, 128), lambda i: (i, 0)),
        out_shape=jax.ShapeDtypeStruct((CELLS // 8, 128), jnp.float32),
    )(acc2, W_weight, b_weight, W_edge, b_edge)


def _node_body(x_ref, bid_ref, wb_ref, bb_ref, wn_ref, bn_ref, h_ref, m_ref):
    bid = bid_ref[...]
    offs = [0,
            jnp.sum((bid < 1).astype(jnp.int32)),
            jnp.sum((bid < 2).astype(jnp.int32)),
            jnp.sum((bid < 3).astype(jnp.int32)),
            T_]
    wc = jnp.dot(wb_ref[...], wn_ref[...], preferred_element_type=jnp.float32)
    bc = (jnp.dot(bb_ref[...][None, :], wn_ref[...],
                  preferred_element_type=jnp.float32) + bn_ref[...][None, :])
    for b in range(B_):
        cntb = offs[b + 1] - offs[b]
        xs = x_ref[pl.ds(offs[b], N_), pl.ds(0, D_IN_)]
        rows = lax.broadcasted_iota(jnp.int32, (N_, D_NODE_), 0)
        mk = (rows < cntb).astype(jnp.float32)
        h_ref[pl.ds(b * N_, N_), pl.ds(0, D_NODE_)] = (
            jnp.dot(xs, wc, preferred_element_type=jnp.float32) + bc) * mk
        col = lax.broadcasted_iota(jnp.int32, (1, N_), 1)
        m_ref[pl.ds(b, 1), pl.ds(0, N_)] = (col < cntb).astype(jnp.int32)


def _node_dense(x_pad, batch_ids, W_bias, b_bias, W_node, b_node):
    return pl.pallas_call(
        _node_body,
        out_shape=[
            jax.ShapeDtypeStruct((B_ * N_, D_NODE_), jnp.float32),
            jax.ShapeDtypeStruct((B_, N_), jnp.int32),
        ],
    )(x_pad, batch_ids, W_bias, b_bias, W_node, b_node)


def kernel(x, edge_index, edge_attr, batch_ids, W_bias, b_bias, W_node, b_node,
           W_weight, b_weight, W_edge, b_edge):
    src = edge_index[0]
    dst = edge_index[1]
    rows16 = jnp.concatenate(
        [edge_attr,
         jnp.ones((E_, 1), jnp.float32),
         jnp.zeros((E_, 7), jnp.float32)], axis=1)
    acc, adj_flat = _sc_scatter(src, dst, rows16, batch_ids)
    eh_flat = _edge_dense(acc.reshape(CELLS // 8, 128),
                          W_weight, b_weight, W_edge, b_edge)
    x_pad = jnp.pad(x, ((0, N_), (0, 0)))
    h_flat, mask_i = _node_dense(x_pad, batch_ids, W_bias, b_bias, W_node, b_node)
    h = h_flat.reshape(B_, N_, D_NODE_)
    adj = adj_flat.reshape(B_, N_, N_)
    eh = eh_flat.reshape(B_, N_, N_, D_EDGE_)
    node_mask = mask_i.astype(jnp.bool_)
    return h, adj, eh, node_mask

# --- scband reference (transcript-rebuilt; emitter-appended) ---
"""Pipeline reference for scband-graph-constructor-35673998360736 (READ-ONLY COPY).

The authoritative reference and input builder live on the scoring server;
editing this copy changes nothing except your own understanding.
"""

import jax, jax.numpy as jnp
import numpy as np

B, N = 4, 512
T, E = 1024, 32768
D_IN, D_EDGE_IN, D_NODE, D_EDGE = 8, 8, 128, 16


def setup_inputs(seed: int = 0) -> dict:
    key = jax.random.key(seed)
    ks = jax.random.split(key, 12)
    x = jax.random.normal(ks[0], (T, D_IN), dtype=jnp.float32)
    edge_index = jax.random.randint(ks[1], (2, E), 0, T).astype(jnp.int32)
    edge_attr = jax.random.normal(ks[2], (E, D_EDGE_IN), dtype=jnp.float32)
    batch_ids = jnp.sort(jax.random.randint(ks[3], (T,), 0, B)).astype(jnp.int32)
    s = 0.1
    W_bias = jax.random.normal(ks[4], (D_IN, D_NODE), dtype=jnp.float32) * s
    b_bias = jax.random.normal(ks[5], (D_NODE,), dtype=jnp.float32) * s
    W_node = jax.random.normal(ks[6], (D_NODE, D_NODE), dtype=jnp.float32) * s
    b_node = jax.random.normal(ks[7], (D_NODE,), dtype=jnp.float32) * s
    W_weight = jax.random.normal(ks[8], (D_EDGE_IN, D_EDGE), dtype=jnp.float32) * s
    b_weight = jax.random.normal(ks[9], (D_EDGE,), dtype=jnp.float32) * s
    W_edge = jax.random.normal(ks[10], (D_EDGE, D_EDGE), dtype=jnp.float32) * s
    b_edge = jax.random.normal(ks[11], (D_EDGE,), dtype=jnp.float32) * s
    return {"x": x, "edge_index": edge_index, "edge_attr": edge_attr, "batch_ids": batch_ids,
            "W_bias": W_bias, "b_bias": b_bias, "W_node": W_node, "b_node": b_node,
            "W_weight": W_weight, "b_weight": b_weight, "W_edge": W_edge, "b_edge": b_edge}


def reference(x, edge_index, edge_attr, batch_ids, W_bias, b_bias, W_node, b_node, W_weight, b_weight, W_edge, b_edge):
    # sparse_to_dense: to_dense_batch(x, batch) + to_dense_adj(edge_index, batch, edge_attr)
    offsets = jnp.searchsorted(batch_ids, jnp.arange(B))
    local_pos = jnp.arange(T) - offsets[batch_ids]
    node_mask = jnp.zeros((B, N), dtype=bool).at[batch_ids, local_pos].set(True, mode='drop')
    dense_x = jnp.zeros((B, N, D_IN), x.dtype).at[batch_ids, local_pos].set(x, mode='drop')
    src, dst = edge_index[0], edge_index[1]
    b_src = batch_ids[src]
    b_dst = batch_ids[dst]
    same = b_src == b_dst
    b_e = jnp.where(same, b_src, B)  # cross-graph edges routed out of bounds -> dropped
    src_l = local_pos[src]
    dst_l = local_pos[dst]
    adj = jnp.zeros((B, N, N), jnp.float32).at[b_e, src_l, dst_l].add(1.0, mode='drop')
    # proj_weight on sparse edge features, then scatter into dense adjacency tensor
    e_proj = edge_attr @ W_weight + b_weight
    dense_e = jnp.zeros((B, N, N, D_EDGE), jnp.float32).at[b_e, src_l, dst_l].add(e_proj, mode='drop')
    # proj_bias followed by proj_node_in on dense node features
    h = dense_x @ W_bias + b_bias
    h = h @ W_node + b_node
    h = h * node_mask[..., None]
    # proj_edge_in on dense edge features
    eh = dense_e @ W_edge + b_edge
    eh = eh * adj[..., None]
    return h, adj, eh, node_mask

if __name__ == "__main__":
    import jax
    _d = setup_inputs()
    print(jax.jit(kernel)(*tuple(_d.values())))

</pallas_src>

<mosaic_0001>
#map = affine_map<(d0, d1) -> (0)>
#map1 = affine_map<(d0, d1) -> (0, 0)>
module attributes {stable_mosaic.version = 14 : i64} {
  func.func @_sc_scatter(%arg0: i32, %arg1: i32, %arg2: memref<32768xi32, #tpu.memory_space<hbm>>, %arg3: memref<32768xi32, #tpu.memory_space<hbm>>, %arg4: memref<32768x16xf32, #tpu.memory_space<hbm>>, %arg5: memref<1024xi32, #tpu.memory_space<hbm>>, %arg6: memref<1048576x16xf32, #tpu.memory_space<hbm>>, %arg7: memref<1048576xf32, #tpu.memory_space<hbm>>, %arg8: memref<2048xi32, #tpu.memory_space<vmem>>, %arg9: memref<2048xi32, #tpu.memory_space<vmem>>, %arg10: memref<2048x16xf32, #tpu.memory_space<vmem>>, %arg11: memref<1024xi32, #tpu.memory_space<vmem>>, %arg12: memref<2048xi32, #tpu.memory_space<vmem>>, %arg13: memref<2048xf32, #tpu.memory_space<vmem>>, %arg14: memref<16x128xi32, #tpu.memory_space<vmem>>, %arg15: memref<512x16xf32, #tpu.memory_space<vmem>>, %arg16: memref<4096xf32, #tpu.memory_space<vmem>>, %arg17: memref<34816x16xf32, #tpu.memory_space<vmem_shared>>, %arg18: memref<525312xf32, #tpu.memory_space<vmem_shared>>, %arg19: memref<!tpu.dma_semaphore, #tpu.memory_space<semaphore_mem>>, %arg20: memref<!tpu.dma_semaphore, #tpu.memory_space<semaphore_mem>>, %arg21: memref<!tpu.dma_semaphore, #tpu.memory_space<semaphore_mem>>, %arg22: memref<!tpu.dma_semaphore, #tpu.memory_space<semaphore_mem>>) attributes {dimension_semantics = [#tpu.dimension_semantics<core_parallel>, #tpu.dimension_semantics<subcore_parallel>], iteration_bounds = array<i64: 2, 16>, scalar_prefetch = 0 : i64, scratch_operands = 15 : i64, tpu.core_type = #tpu.core_type<sc_vector_subcore>, window_params = [{transform_indices = #map}, {transform_indices = #map}, {transform_indices = #map1}, {transform_indices = #map}, {transform_indices = #map1}, {transform_indices = #map}]} {
    %iota3A = tpu.iota {dimensions = array<i32: 0>} : vector<16xi32>
    %broadcast_in_dim3A = arith.constant 0.000000e+00 : f32
    %broadcast_in_dim3A_0 = vector.broadcast %broadcast_in_dim3A : f32 to vector<16xf32>
    %mul3A = arith.constant 2048 : i32
    %mul3A_1 = arith.muli %arg1, %mul3A : i32
    %dma_start3A = tpu.memref_slice %arg2[%mul3A_1] : memref<32768xi32, #tpu.memory_space<hbm>> -> memref<2048xi32, #tpu.memory_space<hbm>>
    %dma_start3A_2 = tpu.memref_slice %arg2[%mul3A_1] : memref<32768xi32, #tpu.memory_space<hbm>> -> memref<2048xi32, #tpu.memory_space<hbm>>
    tpu.enqueue_dma source(%dma_start3A_2 : memref<2048xi32, #tpu.memory_space<hbm>>) target(%arg8 : memref<2048xi32, #tpu.memory_space<vmem>>) target_semaphore(%arg21 : memref<!tpu.dma_semaphore, #tpu.memory_space<semaphore_mem>>)
    %dma_start3A_3 = tpu.memref_slice %arg3[%mul3A_1] : memref<32768xi32, #tpu.memory_space<hbm>> -> memref<2048xi32, #tpu.memory_space<hbm>>
    %dma_start3A_4 = tpu.memref_slice %arg3[%mul3A_1] : memref<32768xi32, #tpu.memory_space<hbm>> -> memref<2048xi32, #tpu.memory_space<hbm>>
    tpu.enqueue_dma source(%dma_start3A_4 : memref<2048xi32, #tpu.memory_space<hbm>>) target(%arg9 : memref<2048xi32, #tpu.memory_space<vmem>>) target_semaphore(%arg21 : memref<!tpu.dma_semaphore, #tpu.memory_space<semaphore_mem>>)
    %dma_start3A_5 = arith.constant 0 : i32
    %dma_start3A_6 = tpu.memref_slice %arg4[%mul3A_1, %dma_start3A_5] : memref<32768x16xf32, #tpu.memory_space<hbm>> -> memref<2048x16xf32, #tpu.memory_space<hbm>>
    %dma_start3A_7 = arith.constant 0 : i32
    %dma_start3A_8 = tpu.memref_slice %arg4[%mul3A_1, %dma_start3A_7] : memref<32768x16xf32, #tpu.memory_space<hbm>> -> memref<2048x16xf32, #tpu.memory_space<hbm>>
    tpu.enqueue_dma source(%dma_start3A_8 : memref<2048x16xf32, #tpu.memory_space<hbm>>) target(%arg10 : memref<2048x16xf32, #tpu.memory_space<vmem>>) target_semaphore(%arg21 : memref<!tpu.dma_semaphore, #tpu.memory_space<semaphore_mem>>)
    tpu.enqueue_dma source(%arg5 : memref<1024xi32, #tpu.memory_space<hbm>>) target(%arg11 : memref<1024xi32, #tpu.memory_space<vmem>>) target_semaphore(%arg21 : memref<!tpu.dma_semaphore, #tpu.memory_space<semaphore_mem>>)
    %scan3A = arith.constant 0 : i32
    %scan3A_9 = arith.constant 0 : i32
    %scan3A_10 = arith.constant 512 : i32
    %scan3A_11 = arith.addi %scan3A_9, %scan3A_10 : i32
    %scan3A_12 = arith.constant 1 : i32
    %scan3A_13 = scf.for %scan3A_120 = %scan3A_9 to %scan3A_11 step %scan3A_12 iter_args(%scan3A_121 = %scan3A) -> (i32)  : i32 {
      %swap3A = arith.index_cast %scan3A_120 : i32 to index
      %swap3A_122 = arith.constant 0 : index
      %swap3A_123 = tpu.vector_load %arg15[%swap3A, %swap3A_122] {strides = array<i32>} : memref<512x16xf32, #tpu.memory_space<vmem>>, vector<16xf32>,
      tpu.vector_store %arg15[%swap3A, %swap3A_122], %broadcast_in_dim3A_0 {strides = array<i32>} : memref<512x16xf32, #tpu.memory_space<vmem>>, vector<16xf32>,
      %scan3A_124 = arith.constant 0 : i32
      scf.yield %scan3A_124 : i32
    }
    %scan3A_14 = arith.constant 512 : i32
    %scan3A_15 = arith.constant 0 : i32
    %scan3A_16 = arith.constant 0 : i32
    %scan3A_17 = arith.constant 256 : i32
    %scan3A_18 = arith.addi %scan3A_16, %scan3A_17 : i32
    %scan3A_19 = arith.constant 1 : i32
    %scan3A_20 = scf.for %scan3A_120 = %scan3A_16 to %scan3A_18 step %scan3A_19 iter_args(%scan3A_121 = %scan3A_15) -> (i32)  : i32 {
      %mul3A_122 = arith.constant 16 : i32
      %mul3A_123 = arith.muli %scan3A_120, %mul3A_122 : i32
      %add3A_124 = vector.broadcast %mul3A_123 : i32 to vector<16xi32>
      %add3A_125 = arith.addi %add3A_124, %iota3A : vector<16xi32>
      tpu.vector_store_idx %arg16[%add3A_125], %broadcast_in_dim3A_0 : memref<4096xf32, #tpu.memory_space<vmem>>[vector<16xi32>], vector<16xf32>,
      %scan3A_126 = arith.constant 0 : i32
      scf.yield %scan3A_126 : i32
    }
    %scan3A_21 = arith.constant 256 : i32
    %scan3A_22 = arith.constant 0 : i32
    %scan3A_23 = arith.constant 0 : i32
    %scan3A_24 = arith.constant 128 : i32
    %scan3A_25 = arith.addi %scan3A_23, %scan3A_24 : i32
    %scan3A_26 = arith.constant 1 : i32
    %scan3A_27 = scf.for %scan3A_120 = %scan3A_23 to %scan3A_25 step %scan3A_26 iter_args(%scan3A_121 = %scan3A_22) -> (i32)  : i32 {
      %mul3A_122 = arith.constant 16 : i32
      %mul3A_123 = arith.muli %scan3A_120, %mul3A_122 : i32
      %add3A_124 = vector.broadcast %mul3A_123 : i32 to vector<16xi32>
      %add3A_125 = arith.addi %add3A_124, %iota3A : vector<16xi32>
      %add3A_126 = arith.constant 1.000000e+00 : f32
      %add3A_127 = vector.broadcast %add3A_126 : f32 to vector<16xf32>
      %add3A_128 = arith.addf %broadcast_in_dim3A_0, %add3A_127 : vector<16xf32>
      tpu.vector_store_idx %arg13[%add3A_125], %add3A_128 : memref<2048xf32, #tpu.memory_space<vmem>>[vector<16xi32>], vector<16xf32>,
      %scan3A_129 = arith.constant 0 : i32
      scf.yield %scan3A_129 : i32
    }
    %scan3A_28 = arith.constant 128 : i32
    %scan3A_29 = arith.constant 0 : i32
    %scan3A_30 = arith.constant 0 : i32
    %scan3A_31 = arith.constant 8 : i32
    %scan3A_32 = arith.addi %scan3A_30, %scan3A_31 : i32
    %scan3A_33 = arith.constant 1 : i32
    %scan3A_34 = scf.for %scan3A_120 = %scan3A_30 to %scan3A_32 step %scan3A_33 iter_args(%scan3A_121 = %scan3A_29) -> (i32)  : i32 {
      %mul3A_122 = arith.constant 32768 : i32
      %mul3A_123 = arith.muli %arg1, %mul3A_122 : i32
      %mul3A_124 = arith.constant 4096 : i32
      %mul3A_125 = arith.muli %scan3A_120, %mul3A_124 : i32
      %add3A_126 = arith.addi %mul3A_123, %mul3A_125 : i32
      %dma_start3A_127 = tpu.memref_slice %arg18[%add3A_126] : memref<525312xf32, #tpu.memory_space<vmem_shared>> -> memref<4096xf32, #tpu.memory_space<vmem_shared>>
      %dma_start3A_128 = tpu.memref_slice %arg18[%add3A_126] : memref<525312xf32, #tpu.memory_space<vmem_shared>> -> memref<4096xf32, #tpu.memory_space<vmem_shared>>
      tpu.enqueue_dma source(%arg16 : memref<4096xf32, #tpu.memory_space<vmem>>) target(%dma_start3A_128 : memref<4096xf32, #tpu.memory_space<vmem_shared>>) target_semaphore(%arg20 : memref<!tpu.dma_semaphore, #tpu.memory_space<semaphore_mem>>)
      %scan3A_129 = arith.constant 0 : i32
      scf.yield %scan3A_129 : i32
    }
    %scan3A_35 = arith.constant 8 : i32
    %dma_wait3A = tpu.memref_slice %arg2[%mul3A_1] : memref<32768xi32, #tpu.memory_space<hbm>> -> memref<2048xi32, #tpu.memory_space<hbm>>
    %dma_wait3A_36 = tpu.memref_slice %arg2[%mul3A_1] : memref<32768xi32, #tpu.memory_space<hbm>> -> memref<2048xi32, #tpu.memory_space<hbm>>
    tpu.wait_dma2 semaphore(%arg21 : memref<!tpu.dma_semaphore, #tpu.memory_space<semaphore_mem>>) src(%dma_wait3A_36 : memref<2048xi32, #tpu.memory_space<hbm>>) dst(%arg8 : memref<2048xi32, #tpu.memory_space<vmem>>)
    %dma_wait3A_37 = tpu.memref_slice %arg3[%mul3A_1] : memref<32768xi32, #tpu.memory_space<hbm>> -> memref<2048xi32, #tpu.memory_space<hbm>>
    %dma_wait3A_38 = tpu.memref_slice %arg3[%mul3A_1] : memref<32768xi32, #tpu.memory_space<hbm>> -> memref<2048xi32, #tpu.memory_space<hbm>>
    tpu.wait_dma2 semaphore(%arg21 : memref<!tpu.dma_semaphore, #tpu.memory_space<semaphore_mem>>) src(%dma_wait3A_38 : memref<2048xi32, #tpu.memory_space<hbm>>) dst(%arg9 : memref<2048xi32, #tpu.memory_space<vmem>>)
    %dma_wait3A_39 = arith.constant 0 : i32
    %dma_wait3A_40 = tpu.memref_slice %arg4[%mul3A_1, %dma_wait3A_39] : memref<32768x16xf32, #tpu.memory_space<hbm>> -> memref<2048x16xf32, #tpu.memory_space<hbm>>
    %dma_wait3A_41 = arith.constant 0 : i32
    %dma_wait3A_42 = tpu.memref_slice %arg4[%mul3A_1, %dma_wait3A_41] : memref<32768x16xf32, #tpu.memory_space<hbm>> -> memref<2048x16xf32, #tpu.memory_space<hbm>>
    tpu.wait_dma2 semaphore(%arg21 : memref<!tpu.dma_semaphore, #tpu.memory_space<semaphore_mem>>) src(%dma_wait3A_42 : memref<2048x16xf32, #tpu.memory_space<hbm>>) dst(%arg10 : memref<2048x16xf32, #tpu.memory_space<vmem>>)
    tpu.wait_dma2 semaphore(%arg21 : memref<!tpu.dma_semaphore, #tpu.memory_space<semaphore_mem>>) src(%arg5 : memref<1024xi32, #tpu.memory_space<hbm>>) dst(%arg11 : memref<1024xi32, #tpu.memory_space<vmem>>)
    %broadcast_in_dim3A_43 = arith.constant 0 : i32
    %broadcast_in_dim3A_44 = vector.broadcast %broadcast_in_dim3A_43 : i32 to vector<16xi32>
    %scan3A_45 = arith.constant 0 : i32
    %scan3A_46 = arith.constant 64 : i32
    %scan3A_47 = arith.addi %scan3A_45, %scan3A_46 : i32
    %scan3A_48 = arith.constant 1 : i32
    %scan3A_49:3 = scf.for %scan3A_120 = %scan3A_45 to %scan3A_47 step %scan3A_48 iter_args(%scan3A_121 = %broadcast_in_dim3A_44, %scan3A_122 = %broadcast_in_dim3A_44, %scan3A_123 = %broadcast_in_dim3A_44) -> (vector<16xi32>, vector<16xi32>, vector<16xi32>)  : i32 {
      %mul3A_124 = arith.constant 16 : i32
      %mul3A_125 = arith.muli %scan3A_120, %mul3A_124 : i32
      %add3A_126 = vector.broadcast %mul3A_125 : i32 to vector<16xi32>
      %add3A_127 = arith.addi %add3A_126, %iota3A : vector<16xi32>
      %gather3A = tpu.vector_load_idx %arg11[%add3A_127] : memref<1024xi32, #tpu.memory_space<vmem>>[vector<16xi32>], vector<16xi32>,
      %lt3A = arith.constant 1 : i32
      %lt3A_128 = vector.broadcast %lt3A : i32 to vector<16xi32>
      %lt3A_129 = arith.cmpi slt, %gather3A, %lt3A_128 : vector<16xi32>
      %convert_element_type3A = arith.extui %lt3A_129 : vector<16xi1> to vector<16xi32>
      %add3A_130 = arith.addi %scan3A_121, %convert_element_type3A : vector<16xi32>
      %lt3A_131 = arith.constant 2 : i32
      %lt3A_132 = vector.broadcast %lt3A_131 : i32 to vector<16xi32>
      %lt3A_133 = arith.cmpi slt, %gather3A, %lt3A_132 : vector<16xi32>
      %convert_element_type3A_134 = arith.extui %lt3A_133 : vector<16xi1> to vector<16xi32>
      %add3A_135 = arith.addi %scan3A_122, %convert_element_type3A_134 : vector<16xi32>
      %lt3A_136 = arith.constant 3 : i32
      %lt3A_137 = vector.broadcast %lt3A_136 : i32 to vector<16xi32>
      %lt3A_138 = arith.cmpi slt, %gather3A, %lt3A_137 : vector<16xi32>
      %convert_element_type3A_139 = arith.extui %lt3A_138 : vector<16xi1> to vector<16xi32>
      %add3A_140 = arith.addi %scan3A_123, %convert_element_type3A_139 : vector<16xi32>
      scf.yield %add3A_130, %add3A_135, %add3A_140 : vector<16xi32>, vector<16xi32>, vector<16xi32>
    }
    %scan3A_50 = arith.constant 64 : i32
    %reduce_sum3A = arith.constant true
    %reduce_sum3A_51 = vector.broadcast %reduce_sum3A : i1 to vector<16xi1>
    %reduce_sum3A_52 = tpu.scan <sum>, %scan3A_49#0 masked %reduce_sum3A_51 : vector<16xi32>, vector<16xi1> -> vector<16xi32>
    %reduce_sum3A_53 = vector.extract %reduce_sum3A_52[15] : i32 from vector<16xi32>
    %reduce_sum3A_54 = arith.constant true
    %reduce_sum3A_55 = vector.broadcast %reduce_sum3A_54 : i1 to vector<16xi1>
    %reduce_sum3A_56 = tpu.scan <sum>, %scan3A_49#1 masked %reduce_sum3A_55 : vector<16xi32>, vector<16xi1> -> vector<16xi32>
    %reduce_sum3A_57 = vector.extract %reduce_sum3A_56[15] : i32 from vector<16xi32>
    %reduce_sum3A_58 = arith.constant true
    %reduce_sum3A_59 = vector.broadcast %reduce_sum3A_58 : i1 to vector<16xi1>
    %reduce_sum3A_60 = tpu.scan <sum>, %scan3A_49#2 masked %reduce_sum3A_59 : vector<16xi32>, vector<16xi1> -> vector<16xi32>
    %reduce_sum3A_61 = vector.extract %reduce_sum3A_60[15] : i32 from vector<16xi32>
    %scan3A_62 = arith.constant 0 : i32
    %scan3A_63 = arith.constant 0 : i32
    %scan3A_64 = arith.constant 128 : i32
    %scan3A_65 = arith.addi %scan3A_63, %scan3A_64 : i32
    %scan3A_66 = arith.constant 1 : i32
    %scan3A_67 = scf.for %scan3A_120 = %scan3A_63 to %scan3A_65 step %scan3A_66 iter_args(%scan3A_121 = %scan3A_62) -> (i32)  : i32 {
      %mul3A_122 = arith.constant 16 : i32
      %mul3A_123 = arith.muli %scan3A_120, %mul3A_122 : i32
      %add3A_124 = vector.broadcast %mul3A_123 : i32 to vector<16xi32>
      %add3A_125 = arith.addi %add3A_124, %iota3A : vector<16xi32>
      %gather3A = tpu.vector_load_idx %arg8[%add3A_125] : memref<2048xi32, #tpu.memory_space<vmem>>[vector<16xi32>], vector<16xi32>,
      %gather3A_126 = tpu.vector_load_idx %arg9[%add3A_125] : memref<2048xi32, #tpu.memory_space<vmem>>[vector<16xi32>], vector<16xi32>,
      %ge3A = vector.broadcast %reduce_sum3A_53 : i32 to vector<16xi32>
      %ge3A_127 = arith.cmpi sge, %gather3A, %ge3A : vector<16xi32>
      %convert_element_type3A = arith.extui %ge3A_127 : vector<16xi1> to vector<16xi32>
      %ge3A_128 = vector.broadcast %reduce_sum3A_57 : i32 to vector<16xi32>
      %ge3A_129 = arith.cmpi sge, %gather3A, %ge3A_128 : vector<16xi32>
      %convert_element_type3A_130 = arith.extui %ge3A_129 : vector<16xi1> to vector<16xi32>
      %add3A_131 = arith.addi %convert_element_type3A, %convert_element_type3A_130 : vector<16xi32>
      %ge3A_132 = vector.broadcast %reduce_sum3A_61 : i32 to vector<16xi32>
      %ge3A_133 = arith.cmpi sge, %gather3A, %ge3A_132 : vector<16xi32>
      %convert_element_type3A_134 = arith.extui %ge3A_133 : vector<16xi1> to vector<16xi32>
      %add3A_135 = arith.addi %add3A_131, %convert_element_type3A_134 : vector<16xi32>
      %ge3A_136 = vector.broadcast %reduce_sum3A_53 : i32 to vector<16xi32>
      %ge3A_137 = arith.cmpi sge, %gather3A_126, %ge3A_136 : vector<16xi32>
      %convert_element_type3A_138 = arith.extui %ge3A_137 : vector<16xi1> to vector<16xi32>
      %ge3A_139 = vector.broadcast %reduce_sum3A_57 : i32 to vector<16xi32>
      %ge3A_140 = arith.cmpi sge, %gather3A_126, %ge3A_139 : vector<16xi32>
      %convert_element_type3A_141 = arith.extui %ge3A_140 : vector<16xi1> to vector<16xi32>
      %add3A_142 = arith.addi %convert_element_type3A_138, %convert_element_type3A_141 : vector<16xi32>
      %ge3A_143 = vector.broadcast %reduce_sum3A_61 : i32 to vector<16xi32>
      %ge3A_144 = arith.cmpi sge, %gather3A_126, %ge3A_143 : vector<16xi32>
      %convert_element_type3A_145 = arith.extui %ge3A_144 : vector<16xi1> to vector<16xi32>
      %add3A_146 = arith.addi %add3A_142, %convert_element_type3A_145 : vector<16xi32>
      %eq3A = arith.constant 1 : i32
      %eq3A_147 = vector.broadcast %eq3A : i32 to vector<16xi32>
      %eq3A_148 = arith.cmpi eq, %add3A_135, %eq3A_147 : vector<16xi32>
      %convert_element_type3A_149 = arith.extui %eq3A_148 : vector<16xi1> to vector<16xi32>
      %mul3A_150 = vector.broadcast %reduce_sum3A_53 : i32 to vector<16xi32>
      %mul3A_151 = arith.muli %convert_element_type3A_149, %mul3A_150 : vector<16xi32>
      %eq3A_152 = arith.constant 2 : i32
      %eq3A_153 = vector.broadcast %eq3A_152 : i32 to vector<16xi32>
      %eq3A_154 = arith.cmpi eq, %add3A_135, %eq3A_153 : vector<16xi32>
      %convert_element_type3A_155 = arith.extui %eq3A_154 : vector<16xi1> to vector<16xi32>
      %mul3A_156 = vector.broadcast %reduce_sum3A_57 : i32 to vector<16xi32>
      %mul3A_157 = arith.muli %convert_element_type3A_155, %mul3A_156 : vector<16xi32>
      %add3A_158 = arith.addi %mul3A_151, %mul3A_157 : vector<16xi32>
      %eq3A_159 = arith.constant 3 : i32
      %eq3A_160 = vector.broadcast %eq3A_159 : i32 to vector<16xi32>
      %eq3A_161 = arith.cmpi eq, %add3A_135, %eq3A_160 : vector<16xi32>
      %convert_element_type3A_162 = arith.extui %eq3A_161 : vector<16xi1> to vector<16xi32>
      %mul3A_163 = vector.broadcast %reduce_sum3A_61 : i32 to vector<16xi32>
      %mul3A_164 = arith.muli %convert_element_type3A_162, %mul3A_163 : vector<16xi32>
      %add3A_165 = arith.addi %add3A_158, %mul3A_164 : vector<16xi32>
      %eq3A_166 = arith.constant 1 : i32
      %eq3A_167 = vector.broadcast %eq3A_166 : i32 to vector<16xi32>
      %eq3A_168 = arith.cmpi eq, %add3A_146, %eq3A_167 : vector<16xi32>
      %convert_element_type3A_169 = arith.extui %eq3A_168 : vector<16xi1> to vector<16xi32>
      %mul3A_170 = vector.broadcast %reduce_sum3A_53 : i32 to vector<16xi32>
      %mul3A_171 = arith.muli %convert_element_type3A_169, %mul3A_170 : vector<16xi32>
      %eq3A_172 = arith.constant 2 : i32
      %eq3A_173 = vector.broadcast %eq3A_172 : i32 to vector<16xi32>
      %eq3A_174 = arith.cmpi eq, %add3A_146, %eq3A_173 : vector<16xi32>
      %convert_element_type3A_175 = arith.extui %eq3A_174 : vector<16xi1> to vector<16xi32>
      %mul3A_176 = vector.broadcast %reduce_sum3A_57 : i32 to vector<16xi32>
      %mul3A_177 = arith.muli %convert_element_type3A_175, %mul3A_176 : vector<16xi32>
      %add3A_178 = arith.addi %mul3A_171, %mul3A_177 : vector<16xi32>
      %eq3A_179 = arith.constant 3 : i32
      %eq3A_180 = vector.broadcast %eq3A_179 : i32 to vector<16xi32>
      %eq3A_181 = arith.cmpi eq, %add3A_146, %eq3A_180 : vector<16xi32>
      %convert_element_type3A_182 = arith.extui %eq3A_181 : vector<16xi1> to vector<16xi32>
      %mul3A_183 = vector.broadcast %reduce_sum3A_61 : i32 to vector<16xi32>
      %mul3A_184 = arith.muli %convert_element_type3A_182, %mul3A_183 : vector<16xi32>
      %add3A_185 = arith.addi %add3A_178, %mul3A_184 : vector<16xi32>
      %sub3A = arith.subi %gather3A, %add3A_165 : vector<16xi32>
      %sub3A_186 = arith.subi %gather3A_126, %add3A_185 : vector<16xi32>
      %eq3A_187 = arith.cmpi eq, %add3A_135, %add3A_146 : vector<16xi32>
      %lt3A = arith.constant 512 : i32
      %lt3A_188 = vector.broadcast %lt3A : i32 to vector<16xi32>
      %lt3A_189 = arith.cmpi slt, %sub3A, %lt3A_188 : vector<16xi32>
      %and3A = arith.andi %eq3A_187, %lt3A_189 : vector<16xi1>
      %lt3A_190 = arith.constant 512 : i32
      %lt3A_191 = vector.broadcast %lt3A_190 : i32 to vector<16xi32>
      %lt3A_192 = arith.cmpi slt, %sub3A_186, %lt3A_191 : vector<16xi32>
      %and3A_193 = arith.andi %and3A, %lt3A_192 : vector<16xi1>
      %mul3A_194 = arith.constant 262144 : i32
      %mul3A_195 = vector.broadcast %mul3A_194 : i32 to vector<16xi32>
      %mul3A_196 = arith.muli %add3A_135, %mul3A_195 : vector<16xi32>
      %mul3A_197 = arith.constant 512 : i32
      %mul3A_198 = vector.broadcast %mul3A_197 : i32 to vector<16xi32>
      %mul3A_199 = arith.muli %sub3A, %mul3A_198 : vector<16xi32>
      %add3A_200 = arith.addi %mul3A_196, %mul3A_199 : vector<16xi32>
      %add3A_201 = arith.addi %add3A_200, %sub3A_186 : vector<16xi32>
      %jit3A = arith.constant 1073741824 : i32
      %broadcast_in_dim3A_202 = vector.broadcast %jit3A : i32 to vector<16xi32>
      %select_n3A = arith.select %and3A_193, %add3A_201, %broadcast_in_dim3A_202 : vector<16xi1>, vector<16xi32>
      tpu.vector_store_idx %arg12[%add3A_125], %select_n3A : memref<2048xi32, #tpu.memory_space<vmem>>[vector<16xi32>], vector<16xi32>,
      %scan3A_203 = arith.constant 0 : i32
      scf.yield %scan3A_203 : i32
    }
    %scan3A_68 = arith.constant 128 : i32
    %mul3A_69 = arith.constant 524288 : i32
    %mul3A_70 = arith.muli %arg0, %mul3A_69 : i32
    %scan3A_71 = arith.constant 0 : i32
    %scan3A_72 = arith.constant 0 : i32
    %scan3A_73 = arith.constant 8 : i32
    %scan3A_74 = arith.addi %scan3A_72, %scan3A_73 : i32
    %scan3A_75 = arith.constant 1 : i32
    %scan3A_76 = scf.for %scan3A_120 = %scan3A_72 to %scan3A_74 step %scan3A_75 iter_args(%scan3A_121 = %scan3A_71) -> (i32)  : i32 {
      %mul3A_122 = arith.constant 32768 : i32
      %mul3A_123 = arith.muli %arg1, %mul3A_122 : i32
      %dma_wait3A_124 = tpu.memref_slice %arg18[%mul3A_123] : memref<525312xf32, #tpu.memory_space<vmem_shared>> -> memref<4096xf32, #tpu.memory_space<vmem_shared>>
      %dma_wait3A_125 = tpu.memref_slice %arg18[%mul3A_123] : memref<525312xf32, #tpu.memory_space<vmem_shared>> -> memref<4096xf32, #tpu.memory_space<vmem_shared>>
      tpu.wait_dma2 semaphore(%arg20 : memref<!tpu.dma_semaphore, #tpu.memory_space<semaphore_mem>>) src(%arg16 : memref<4096xf32, #tpu.memory_space<vmem>>) dst(%dma_wait3A_125 : memref<4096xf32, #tpu.memory_space<vmem_shared>>)
      %scan3A_126 = arith.constant 0 : i32
      scf.yield %scan3A_126 : i32
    }
    %scan3A_77 = arith.constant 8 : i32
    %barrier3A = arith.constant 0 : index
    tpu.barrier barrier_id(%barrier3A)
    %scan3A_78 = arith.constant 0 : i32
    %scan3A_79 = arith.constant 0 : i32
    %scan3A_80 = arith.constant 16 : i32
    %scan3A_81 = arith.addi %scan3A_79, %scan3A_80 : i32
    %scan3A_82 = arith.constant 1 : i32
    %scan3A_83 = scf.for %scan3A_120 = %scan3A_79 to %scan3A_81 step %scan3A_82 iter_args(%scan3A_121 = %scan3A_78) -> (i32)  : i32 {
      %scan3A_122 = arith.constant 0 : i32
      %scan3A_123 = arith.constant 0 : i32
      %scan3A_124 = arith.constant 8 : i32
      %scan3A_125 = arith.addi %scan3A_123, %scan3A_124 : i32
      %scan3A_126 = arith.constant 1 : i32
      %scan3A_127 = scf.for %scan3A_138 = %scan3A_123 to %scan3A_125 step %scan3A_126 iter_args(%scan3A_139 = %scan3A_122) -> (i32)  : i32 {
        %mul3A_140 = arith.constant 128 : i32
        %mul3A_141 = arith.muli %scan3A_120, %mul3A_140 : i32
        %mul3A_142 = arith.constant 16 : i32
        %mul3A_143 = arith.muli %scan3A_138, %mul3A_142 : i32
        %add3A_144 = arith.addi %mul3A_141, %mul3A_143 : i32
        %add3A_145 = vector.broadcast %add3A_144 : i32 to vector<16xi32>
        %add3A_146 = arith.addi %add3A_145, %iota3A : vector<16xi32>
        %gather3A = tpu.vector_load_idx %arg12[%add3A_146] : memref<2048xi32, #tpu.memory_space<vmem>>[vector<16xi32>], vector<16xi32>,
        %sub3A = vector.broadcast %mul3A_70 : i32 to vector<16xi32>
        %sub3A_147 = arith.subi %gather3A, %sub3A : vector<16xi32>
        %ge3A = arith.constant 0 : i32
        %ge3A_148 = vector.broadcast %ge3A : i32 to vector<16xi32>
        %ge3A_149 = arith.cmpi sge, %sub3A_147, %ge3A_148 : vector<16xi32>
        %lt3A = arith.constant 524288 : i32
        %lt3A_150 = vector.broadcast %lt3A : i32 to vector<16xi32>
        %lt3A_151 = arith.cmpi slt, %sub3A_147, %lt3A_150 : vector<16xi32>
        %and3A = arith.andi %ge3A_149, %lt3A_151 : vector<16xi1>
        %add3A_152 = vector.broadcast %add3A_144 : i32 to vector<16xi32>
        %add3A_153 = arith.addi %add3A_152, %iota3A : vector<16xi32>
        %and3A_154 = arith.constant 1023 : i32
        %and3A_155 = vector.broadcast %and3A_154 : i32 to vector<16xi32>
        %and3A_156 = arith.andi %add3A_153, %and3A_155 : vector<16xi32>
        %add3A_157 = arith.constant 524288 : i32
        %add3A_158 = vector.broadcast %add3A_157 : i32 to vector<16xi32>
        %add3A_159 = arith.addi %add3A_158, %and3A_156 : vector<16xi32>
        %select_n3A = arith.select %and3A, %sub3A_147, %add3A_159 : vector<16xi1>, vector<16xi32>
        %mul3A_160 = arith.constant 0 : i32
        %mul3A_161 = vector.broadcast %mul3A_160 : i32 to vector<16xi32>
        %mul3A_162 = arith.muli %iota3A, %mul3A_161 : vector<16xi32>
        %add3A_163 = vector.broadcast %scan3A_120 : i32 to vector<16xi32>
        %add3A_164 = arith.addi %mul3A_162, %add3A_163 : vector<16xi32>
        %mul3A_165 = arith.constant 16 : i32
        %mul3A_166 = arith.muli %scan3A_138, %mul3A_165 : i32
        %add3A_167 = vector.broadcast %mul3A_166 : i32 to vector<16xi32>
        %add3A_168 = arith.addi %add3A_167, %iota3A : vector<16xi32>
        tpu.vector_store_idx %arg14[%add3A_164, %add3A_168], %select_n3A : memref<16x128xi32, #tpu.memory_space<vmem>>[vector<16xi32>, vector<16xi32>], vector<16xi32>,
        %scan3A_169 = arith.constant 0 : i32
        scf.yield %scan3A_169 : i32
      }
      %scan3A_128 = arith.constant 8 : i32
      %mul3A_129 = arith.constant 128 : i32
      %mul3A_130 = arith.muli %scan3A_120, %mul3A_129 : i32
      %dma_start3A_131 = tpu.memref_slice %arg13[%mul3A_130] : memref<2048xf32, #tpu.memory_space<vmem>> -> memref<128xf32, #tpu.memory_space<vmem>>
      %dma_start3A_132 = arith.constant 0 : i32
      %dma_start3A_133 = tpu.memref_slice %arg14[%scan3A_120, %dma_start3A_132] : memref<16x128xi32, #tpu.memory_space<vmem>> -> memref<1x128xi32, #tpu.memory_space<vmem>>
      %dma_start3A_134 = tpu.memref_squeeze %dma_start3A_133 : memref<1x128xi32, #tpu.memory_space<vmem>> -> memref<128xi32, #tpu.memory_space<vmem>>
      %dma_start3A_135 = arith.constant 0 : i32
      %dma_start3A_136 = tpu.memref_slice %arg18[%dma_start3A_135] : memref<525312xf32, #tpu.memory_space<vmem_shared>> -> memref<525312xf32, #tpu.memory_space<vmem_shared>>
      tpu.enqueue_indirect_dma source(%dma_start3A_131 : memref<128xf32, #tpu.memory_space<vmem>>) target(%dma_start3A_136 : memref<525312xf32, #tpu.memory_space<vmem_shared>>) offsets(%dma_start3A_134 : memref<128xi32, #tpu.memory_space<vmem>>) semaphore(%arg19 : memref<!tpu.dma_semaphore, #tpu.memory_space<semaphore_mem>>) {add = true}
      %scan3A_137 = arith.constant 0 : i32
      scf.yield %scan3A_137 : i32
    }
    %scan3A_84 = arith.constant 16 : i32
    %scan3A_85 = arith.constant 0 : i32
    %scan3A_86 = arith.constant 0 : i32
    %scan3A_87 = arith.constant 16 : i32
    %scan3A_88 = arith.addi %scan3A_86, %scan3A_87 : i32
    %scan3A_89 = arith.constant 1 : i32
    %scan3A_90 = scf.for %scan3A_120 = %scan3A_86 to %scan3A_88 step %scan3A_89 iter_args(%scan3A_121 = %scan3A_85) -> (i32)  : i32 {
      %dma_wait3A_122 = arith.constant 0 : i32
      %dma_wait3A_123 = arith.constant 0 : i32
      %dma_wait3A_124 = tpu.memref_slice %arg13[%dma_wait3A_123] : memref<2048xf32, #tpu.memory_space<vmem>> -> memref<128xf32, #tpu.memory_space<vmem>>
      %dma_wait3A_125 = arith.constant 0 : i32
      %dma_wait3A_126 = tpu.memref_slice %arg14[%dma_wait3A_122, %dma_wait3A_125] : memref<16x128xi32, #tpu.memory_space<vmem>> -> memref<1x128xi32, #tpu.memory_space<vmem>>
      %dma_wait3A_127 = tpu.memref_squeeze %dma_wait3A_126 : memref<1x128xi32, #tpu.memory_space<vmem>> -> memref<128xi32, #tpu.memory_space<vmem>>
      %dma_wait3A_128 = arith.constant 0 : i32
      %dma_wait3A_129 = tpu.memref_slice %arg18[%dma_wait3A_128] : memref<525312xf32, #tpu.memory_space<vmem_shared>> -> memref<525312xf32, #tpu.memory_space<vmem_shared>>
      tpu.wait_indirect_dma semaphore(%arg19 : memref<!tpu.dma_semaphore, #tpu.memory_space<semaphore_mem>>) src(%dma_wait3A_124 : memref<128xf32, #tpu.memory_space<vmem>>) dst(%dma_wait3A_129 : memref<525312xf32, #tpu.memory_space<vmem_shared>>)
      %scan3A_130 = arith.constant 0 : i32
      scf.yield %scan3A_130 : i32
    }
    %scan3A_91 = arith.constant 16 : i32
    %barrier3A_92 = arith.constant 0 : index
    tpu.barrier barrier_id(%barrier3A_92)
    %mul3A_93 = arith.constant 32768 : i32
    %mul3A_94 = arith.muli %arg1, %mul3A_93 : i32
    %mul3A_95 = arith.constant 32768 : i32
    %mul3A_96 = arith.muli %arg1, %mul3A_95 : i32
    %add3A = arith.addi %mul3A_70, %mul3A_96 : i32
    %dma_start3A_97 = tpu.memref_slice %arg7[%add3A] : memref<1048576xf32, #tpu.memory_space<hbm>> -> memref<32768xf32, #tpu.memory_space<hbm>>
    %dma_start3A_98 = tpu.memref_slice %arg18[%mul3A_94] : memref<525312xf32, #tpu.memory_space<vmem_shared>> -> memref<32768xf32, #tpu.memory_space<vmem_shared>>
    tpu.enqueue_dma source(%dma_start3A_98 : memref<32768xf32, #tpu.memory_space<vmem_shared>>) target(%dma_start3A_97 : memref<32768xf32, #tpu.memory_space<hbm>>) target_semaphore(%arg22 : memref<!tpu.dma_semaphore, #tpu.memory_space<semaphore_mem>>)
    %scan3A_99 = arith.constant 0 : i32
    %scan3A_100 = arith.constant 0 : i32
    %scan3A_101 = arith.constant 32 : i32
    %scan3A_102 = arith.addi %scan3A_100, %scan3A_101 : i32
    %scan3A_103 = arith.constant 1 : i32
    %scan3A_104 = scf.for %scan3A_120 = %scan3A_100 to %scan3A_102 step %scan3A_103 iter_args(%scan3A_121 = %scan3A_99) -> (i32)  : i32 {
      %mul3A_122 = arith.constant 16384 : i32
      %mul3A_123 = arith.muli %scan3A_120, %mul3A_122 : i32
      %add3A_124 = arith.addi %mul3A_70, %mul3A_123 : i32
      %rem3A = arith.constant 2 : i32
      %rem3A_125 = arith.remsi %scan3A_120, %rem3A : i32
      %mul3A_126 = arith.constant 17408 : i32
      %mul3A_127 = arith.muli %rem3A_125, %mul3A_126 : i32
      %ge3A = arith.constant 2 : i32
      %ge3A_128 = arith.cmpi sge, %scan3A_120, %ge3A : i32
      %convert_element_type3A = arith.extui %ge3A_128 : i1 to i32
      %cond3A = arith.constant 0 : i32
      %cond3A_129 = arith.cmpi ne, %convert_element_type3A, %cond3A : i32
      scf.if %cond3A_129 {
        %mul3A_194 = arith.constant 1024 : i32
        %mul3A_195 = arith.muli %arg1, %mul3A_194 : i32
        %add3A_196 = arith.addi %mul3A_127, %mul3A_195 : i32
        %sub3A = arith.constant 32768 : i32
        %sub3A_197 = arith.subi %add3A_124, %sub3A : i32
        %mul3A_198 = arith.constant 1024 : i32
        %mul3A_199 = arith.muli %arg1, %mul3A_198 : i32
        %add3A_200 = arith.addi %sub3A_197, %mul3A_199 : i32
        %dma_wait3A_201 = arith.constant 0 : i32
        %dma_wait3A_202 = tpu.memref_slice %arg6[%add3A_200, %dma_wait3A_201] : memref<1048576x16xf32, #tpu.memory_space<hbm>> -> memref<1024x16xf32, #tpu.memory_space<hbm>>
        %dma_wait3A_203 = arith.constant 0 : i32
        %dma_wait3A_204 = tpu.memref_slice %arg17[%add3A_196, %dma_wait3A_203] : memref<34816x16xf32, #tpu.memory_space<vmem_shared>> -> memref<1024x16xf32, #tpu.memory_space<vmem_shared>>
        tpu.wait_dma2 semaphore(%arg21 : memref<!tpu.dma_semaphore, #tpu.memory_space<semaphore_mem>>) src(%dma_wait3A_204 : memref<1024x16xf32, #tpu.memory_space<vmem_shared>>) dst(%dma_wait3A_202 : memref<1024x16xf32, #tpu.memory_space<hbm>>)
      } else {
      }
      %mul3A_130 = arith.constant 1024 : i32
      %mul3A_131 = arith.muli %arg1, %mul3A_130 : i32
      %add3A_132 = arith.addi %mul3A_127, %mul3A_131 : i32
      %dma_start3A_133 = arith.constant 0 : i32
      %dma_start3A_134 = tpu.memref_slice %arg17[%add3A_132, %dma_start3A_133] : memref<34816x16xf32, #tpu.memory_space<vmem_shared>> -> memref<512x16xf32, #tpu.memory_space<vmem_shared>>
      %dma_start3A_135 = arith.constant 0 : i32
      %dma_start3A_136 = tpu.memref_slice %arg17[%add3A_132, %dma_start3A_135] : memref<34816x16xf32, #tpu.memory_space<vmem_shared>> -> memref<512x16xf32, #tpu.memory_space<vmem_shared>>
      tpu.enqueue_dma source(%arg15 : memref<512x16xf32, #tpu.memory_space<vmem>>) target(%dma_start3A_136 : memref<512x16xf32, #tpu.memory_space<vmem_shared>>) target_semaphore(%arg20 : memref<!tpu.dma_semaphore, #tpu.memory_space<semaphore_mem>>)
      %mul3A_137 = arith.constant 1024 : i32
      %mul3A_138 = arith.muli %arg1, %mul3A_137 : i32
      %add3A_139 = arith.addi %mul3A_127, %mul3A_138 : i32
      %add3A_140 = arith.constant 512 : i32
      %add3A_141 = arith.addi %add3A_139, %add3A_140 : i32
      %dma_start3A_142 = arith.constant 0 : i32
      %dma_start3A_143 = tpu.memref_slice %arg17[%add3A_141, %dma_start3A_142] : memref<34816x16xf32, #tpu.memory_space<vmem_shared>> -> memref<512x16xf32, #tpu.memory_space<vmem_shared>>
      %dma_start3A_144 = arith.constant 0 : i32
      %dma_start3A_145 = tpu.memref_slice %arg17[%add3A_141, %dma_start3A_144] : memref<34816x16xf32, #tpu.memory_space<vmem_shared>> -> memref<512x16xf32, #tpu.memory_space<vmem_shared>>
      tpu.enqueue_dma source(%arg15 : memref<512x16xf32, #tpu.memory_space<vmem>>) target(%dma_start3A_145 : memref<512x16xf32, #tpu.memory_space<vmem_shared>>) target_semaphore(%arg20 : memref<!tpu.dma_semaphore, #tpu.memory_space<semaphore_mem>>)
      %scan3A_146 = arith.constant 0 : i32
      %scan3A_147 = arith.constant 0 : i32
      %scan3A_148 = arith.constant 16 : i32
      %scan3A_149 = arith.addi %scan3A_147, %scan3A_148 : i32
      %scan3A_150 = arith.constant 1 : i32
      %scan3A_151 = scf.for %scan3A_194 = %scan3A_147 to %scan3A_149 step %scan3A_150 iter_args(%scan3A_195 = %scan3A_146) -> (i32)  : i32 {
        %scan3A_196 = arith.constant 0 : i32
        %scan3A_197 = arith.constant 0 : i32
        %scan3A_198 = arith.constant 8 : i32
        %scan3A_199 = arith.addi %scan3A_197, %scan3A_198 : i32
        %scan3A_200 = arith.constant 1 : i32
        %scan3A_201 = scf.for %scan3A_204 = %scan3A_197 to %scan3A_199 step %scan3A_200 iter_args(%scan3A_205 = %scan3A_196) -> (i32)  : i32 {
          %mul3A_206 = arith.constant 128 : i32
          %mul3A_207 = arith.muli %scan3A_194, %mul3A_206 : i32
          %mul3A_208 = arith.constant 16 : i32
          %mul3A_209 = arith.muli %scan3A_204, %mul3A_208 : i32
          %add3A_210 = arith.addi %mul3A_207, %mul3A_209 : i32
          %add3A_211 = vector.broadcast %add3A_210 : i32 to vector<16xi32>
          %add3A_212 = arith.addi %add3A_211, %iota3A : vector<16xi32>
          %gather3A = tpu.vector_load_idx %arg12[%add3A_212] : memref<2048xi32, #tpu.memory_space<vmem>>[vector<16xi32>], vector<16xi32>,
          %sub3A = vector.broadcast %add3A_124 : i32 to vector<16xi32>
          %sub3A_213 = arith.subi %gather3A, %sub3A : vector<16xi32>
          %ge3A_214 = arith.constant 0 : i32
          %ge3A_215 = vector.broadcast %ge3A_214 : i32 to vector<16xi32>
          %ge3A_216 = arith.cmpi sge, %sub3A_213, %ge3A_215 : vector<16xi32>
          %lt3A = arith.constant 16384 : i32
          %lt3A_217 = vector.broadcast %lt3A : i32 to vector<16xi32>
          %lt3A_218 = arith.cmpi slt, %sub3A_213, %lt3A_217 : vector<16xi32>
          %and3A = arith.andi %ge3A_216, %lt3A_218 : vector<16xi1>
          %add3A_219 = vector.broadcast %add3A_210 : i32 to vector<16xi32>
          %add3A_220 = arith.addi %add3A_219, %iota3A : vector<16xi32>
          %and3A_221 = arith.constant 1023 : i32
          %and3A_222 = vector.broadcast %and3A_221 : i32 to vector<16xi32>
          %and3A_223 = arith.andi %add3A_220, %and3A_222 : vector<16xi32>
          %add3A_224 = arith.constant 16384 : i32
          %add3A_225 = vector.broadcast %add3A_224 : i32 to vector<16xi32>
          %add3A_226 = arith.addi %add3A_225, %and3A_223 : vector<16xi32>
          %select_n3A = arith.select %and3A, %sub3A_213, %add3A_226 : vector<16xi1>, vector<16xi32>
          %add3A_227 = vector.broadcast %mul3A_127 : i32 to vector<16xi32>
          %add3A_228 = arith.addi %add3A_227, %select_n3A : vector<16xi32>
          %mul3A_229 = arith.constant 0 : i32
          %mul3A_230 = vector.broadcast %mul3A_229 : i32 to vector<16xi32>
          %mul3A_231 = arith.muli %iota3A, %mul3A_230 : vector<16xi32>
          %add3A_232 = vector.broadcast %scan3A_194 : i32 to vector<16xi32>
          %add3A_233 = arith.addi %mul3A_231, %add3A_232 : vector<16xi32>
          %mul3A_234 = arith.constant 16 : i32
          %mul3A_235 = arith.muli %scan3A_204, %mul3A_234 : i32
          %add3A_236 = vector.broadcast %mul3A_235 : i32 to vector<16xi32>
          %add3A_237 = arith.addi %add3A_236, %iota3A : vector<16xi32>
          tpu.vector_store_idx %arg14[%add3A_233, %add3A_237], %add3A_228 : memref<16x128xi32, #tpu.memory_space<vmem>>[vector<16xi32>, vector<16xi32>], vector<16xi32>,
          %scan3A_238 = arith.constant 0 : i32
          scf.yield %scan3A_238 : i32
        }
        %scan3A_202 = arith.constant 8 : i32
        %scan3A_203 = arith.constant 0 : i32
        scf.yield %scan3A_203 : i32
      }
      %scan3A_152 = arith.constant 16 : i32
      %mul3A_153 = arith.constant 1024 : i32
      %mul3A_154 = arith.muli %arg1, %mul3A_153 : i32
      %add3A_155 = arith.addi %mul3A_127, %mul3A_154 : i32
      %dma_wait3A_156 = arith.constant 0 : i32
      %dma_wait3A_157 = tpu.memref_slice %arg17[%add3A_155, %dma_wait3A_156] : memref<34816x16xf32, #tpu.memory_space<vmem_shared>> -> memref<512x16xf32, #tpu.memory_space<vmem_shared>>
      %dma_wait3A_158 = arith.constant 0 : i32
      %dma_wait3A_159 = tpu.memref_slice %arg17[%add3A_155, %dma_wait3A_158] : memref<34816x16xf32, #tpu.memory_space<vmem_shared>> -> memref<512x16xf32, #tpu.memory_space<vmem_shared>>
      tpu.wait_dma2 semaphore(%arg20 : memref<!tpu.dma_semaphore, #tpu.memory_space<semaphore_mem>>) src(%arg15 : memref<512x16xf32, #tpu.memory_space<vmem>>) dst(%dma_wait3A_159 : memref<512x16xf32, #tpu.memory_space<vmem_shared>>)
      %mul3A_160 = arith.constant 1024 : i32
      %mul3A_161 = arith.muli %arg1, %mul3A_160 : i32
      %add3A_162 = arith.addi %mul3A_127, %mul3A_161 : i32
      %dma_wait3A_163 = arith.constant 0 : i32
      %dma_wait3A_164 = tpu.memref_slice %arg17[%add3A_162, %dma_wait3A_163] : memref<34816x16xf32, #tpu.memory_space<vmem_shared>> -> memref<512x16xf32, #tpu.memory_space<vmem_shared>>
      %dma_wait3A_165 = arith.constant 0 : i32
      %dma_wait3A_166 = tpu.memref_slice %arg17[%add3A_162, %dma_wait3A_165] : memref<34816x16xf32, #tpu.memory_space<vmem_shared>> -> memref<512x16xf32, #tpu.memory_space<vmem_shared>>
      tpu.wait_dma2 semaphore(%arg20 : memref<!tpu.dma_semaphore, #tpu.memory_space<semaphore_mem>>) src(%arg15 : memref<512x16xf32, #tpu.memory_space<vmem>>) dst(%dma_wait3A_166 : memref<512x16xf32, #tpu.memory_space<vmem_shared>>)
      %barrier3A_167 = arith.constant 0 : index
      tpu.barrier barrier_id(%barrier3A_167)
      %scan3A_168 = arith.constant 0 : i32
      %scan3A_169 = arith.constant 0 : i32
      %scan3A_170 = arith.constant 16 : i32
      %scan3A_171 = arith.addi %scan3A_169, %scan3A_170 : i32
      %scan3A_172 = arith.constant 1 : i32
      %scan3A_173 = scf.for %scan3A_194 = %scan3A_169 to %scan3A_171 step %scan3A_172 iter_args(%scan3A_195 = %scan3A_168) -> (i32)  : i32 {
        %mul3A_196 = arith.constant 128 : i32
        %mul3A_197 = arith.muli %scan3A_194, %mul3A_196 : i32
        %dma_start3A_198 = arith.constant 0 : i32
        %dma_start3A_199 = tpu.memref_slice %arg10[%mul3A_197, %dma_start3A_198] : memref<2048x16xf32, #tpu.memory_space<vmem>> -> memref<128x16xf32, #tpu.memory_space<vmem>>
        %dma_start3A_200 = arith.constant 0 : i32
        %dma_start3A_201 = tpu.memref_slice %arg14[%scan3A_194, %dma_start3A_200] : memref<16x128xi32, #tpu.memory_space<vmem>> -> memref<1x128xi32, #tpu.memory_space<vmem>>
        %dma_start3A_202 = tpu.memref_squeeze %dma_start3A_201 : memref<1x128xi32, #tpu.memory_space<vmem>> -> memref<128xi32, #tpu.memory_space<vmem>>
        %dma_start3A_203 = arith.constant 0 : i32
        %dma_start3A_204 = arith.constant 0 : i32
        %dma_start3A_205 = tpu.memref_slice %arg17[%dma_start3A_203, %dma_start3A_204] : memref<34816x16xf32, #tpu.memory_space<vmem_shared>> -> memref<34816x16xf32, #tpu.memory_space<vmem_shared>>
        tpu.enqueue_indirect_dma source(%dma_start3A_199 : memref<128x16xf32, #tpu.memory_space<vmem>>) target(%dma_start3A_205 : memref<34816x16xf32, #tpu.memory_space<vmem_shared>>) offsets(%dma_start3A_202 : memref<128xi32, #tpu.memory_space<vmem>>) semaphore(%arg19 : memref<!tpu.dma_semaphore, #tpu.memory_space<semaphore_mem>>) {add = true}
        %scan3A_206 = arith.constant 0 : i32
        scf.yield %scan3A_206 : i32
      }
      %scan3A_174 = arith.constant 16 : i32
      %scan3A_175 = arith.constant 0 : i32
      %scan3A_176 = arith.constant 0 : i32
      %scan3A_177 = arith.constant 16 : i32
      %scan3A_178 = arith.addi %scan3A_176, %scan3A_177 : i32
      %scan3A_179 = arith.constant 1 : i32
      %scan3A_180 = scf.for %scan3A_194 = %scan3A_176 to %scan3A_178 step %scan3A_179 iter_args(%scan3A_195 = %scan3A_175) -> (i32)  : i32 {
        %dma_wait3A_196 = arith.constant 0 : i32
        %dma_wait3A_197 = arith.constant 0 : i32
        %dma_wait3A_198 = arith.constant 0 : i32
        %dma_wait3A_199 = tpu.memref_slice %arg10[%dma_wait3A_197, %dma_wait3A_198] : memref<2048x16xf32, #tpu.memory_space<vmem>> -> memref<128x16xf32, #tpu.memory_space<vmem>>
        %dma_wait3A_200 = arith.constant 0 : i32
        %dma_wait3A_201 = tpu.memref_slice %arg14[%dma_wait3A_196, %dma_wait3A_200] : memref<16x128xi32, #tpu.memory_space<vmem>> -> memref<1x128xi32, #tpu.memory_space<vmem>>
        %dma_wait3A_202 = tpu.memref_squeeze %dma_wait3A_201 : memref<1x128xi32, #tpu.memory_space<vmem>> -> memref<128xi32, #tpu.memory_space<vmem>>
        %dma_wait3A_203 = arith.constant 0 : i32
        %dma_wait3A_204 = arith.constant 0 : i32
        %dma_wait3A_205 = tpu.memref_slice %arg17[%dma_wait3A_203, %dma_wait3A_204] : memref<34816x16xf32, #tpu.memory_space<vmem_shared>> -> memref<34816x16xf32, #tpu.memory_space<vmem_shared>>
        tpu.wait_indirect_dma semaphore(%arg19 : memref<!tpu.dma_semaphore, #tpu.memory_space<semaphore_mem>>) src(%dma_wait3A_199 : memref<128x16xf32, #tpu.memory_space<vmem>>) dst(%dma_wait3A_205 : memref<34816x16xf32, #tpu.memory_space<vmem_shared>>)
        %scan3A_206 = arith.constant 0 : i32
        scf.yield %scan3A_206 : i32
      }
      %scan3A_181 = arith.constant 16 : i32
      %barrier3A_182 = arith.constant 0 : index
      tpu.barrier barrier_id(%barrier3A_182)
      %mul3A_183 = arith.constant 1024 : i32
      %mul3A_184 = arith.muli %arg1, %mul3A_183 : i32
      %add3A_185 = arith.addi %mul3A_127, %mul3A_184 : i32
      %mul3A_186 = arith.constant 1024 : i32
      %mul3A_187 = arith.muli %arg1, %mul3A_186 : i32
      %add3A_188 = arith.addi %add3A_124, %mul3A_187 : i32
      %dma_start3A_189 = arith.constant 0 : i32
      %dma_start3A_190 = tpu.memref_slice %arg6[%add3A_188, %dma_start3A_189] : memref<1048576x16xf32, #tpu.memory_space<hbm>> -> memref<1024x16xf32, #tpu.memory_space<hbm>>
      %dma_start3A_191 = arith.constant 0 : i32
      %dma_start3A_192 = tpu.memref_slice %arg17[%add3A_185, %dma_start3A_191] : memref<34816x16xf32, #tpu.memory_space<vmem_shared>> -> memref<1024x16xf32, #tpu.memory_space<vmem_shared>>
      tpu.enqueue_dma source(%dma_start3A_192 : memref<1024x16xf32, #tpu.memory_space<vmem_shared>>) target(%dma_start3A_190 : memref<1024x16xf32, #tpu.memory_space<hbm>>) target_semaphore(%arg21 : memref<!tpu.dma_semaphore, #tpu.memory_space<semaphore_mem>>)
      %scan3A_193 = arith.constant 0 : i32
      scf.yield %scan3A_193 : i32
    }
    %scan3A_105 = arith.constant 32 : i32
    %scan3A_106 = arith.constant 0 : i32
    %scan3A_107 = arith.constant 0 : i32
    %scan3A_108 = arith.constant 2 : i32
    %scan3A_109 = arith.addi %scan3A_107, %scan3A_108 : i32
    %scan3A_110 = arith.constant 1 : i32
    %scan3A_111 = scf.for %scan3A_120 = %scan3A_107 to %scan3A_109 step %scan3A_110 iter_args(%scan3A_121 = %scan3A_106) -> (i32)  : i32 {
      %mul3A_122 = arith.constant 1024 : i32
      %mul3A_123 = arith.muli %arg1, %mul3A_122 : i32
      %mul3A_124 = arith.constant 1024 : i32
      %mul3A_125 = arith.muli %arg1, %mul3A_124 : i32
      %dma_wait3A_126 = arith.constant 0 : i32
      %dma_wait3A_127 = tpu.memref_slice %arg6[%mul3A_125, %dma_wait3A_126] : memref<1048576x16xf32, #tpu.memory_space<hbm>> -> memref<1024x16xf32, #tpu.memory_space<hbm>>
      %dma_wait3A_128 = arith.constant 0 : i32
      %dma_wait3A_129 = tpu.memref_slice %arg17[%mul3A_123, %dma_wait3A_128] : memref<34816x16xf32, #tpu.memory_space<vmem_shared>> -> memref<1024x16xf32, #tpu.memory_space<vmem_shared>>
      tpu.wait_dma2 semaphore(%arg21 : memref<!tpu.dma_semaphore, #tpu.memory_space<semaphore_mem>>) src(%dma_wait3A_129 : memref<1024x16xf32, #tpu.memory_space<vmem_shared>>) dst(%dma_wait3A_127 : memref<1024x16xf32, #tpu.memory_space<hbm>>)
      %scan3A_130 = arith.constant 0 : i32
      scf.yield %scan3A_130 : i32
    }
    %scan3A_112 = arith.constant 2 : i32
    %mul3A_113 = arith.constant 32768 : i32
    %mul3A_114 = arith.muli %arg1, %mul3A_113 : i32
    %mul3A_115 = arith.constant 32768 : i32
    %mul3A_116 = arith.muli %arg1, %mul3A_115 : i32
    %add3A_117 = arith.addi %mul3A_70, %mul3A_116 : i32
    %dma_wait3A_118 = tpu.memref_slice %arg7[%add3A_117] : memref<1048576xf32, #tpu.memory_space<hbm>> -> memref<32768xf32, #tpu.memory_space<hbm>>
    %dma_wait3A_119 = tpu.memref_slice %arg18[%mul3A_114] : memref<525312xf32, #tpu.memory_space<vmem_shared>> -> memref<32768xf32, #tpu.memory_space<vmem_shared>>
    tpu.wait_dma2 semaphore(%arg22 : memref<!tpu.dma_semaphore, #tpu.memory_space<semaphore_mem>>) src(%dma_wait3A_119 : memref<32768xf32, #tpu.memory_space<vmem_shared>>) dst(%dma_wait3A_118 : memref<32768xf32, #tpu.memory_space<hbm>>)
    return
  }
}

module attributes {stable_mosaic.version = 14 : i64} {
  func.func @_edge_body(%arg0: i32, %arg1: memref<4096x128xf32, #tpu.memory_space<vmem>>, %arg2: memref<8x16xf32, #tpu.memory_space<vmem>>, %arg3: memref<16xf32, #tpu.memory_space<vmem>>, %arg4: memref<16x16xf32, #tpu.memory_space<vmem>>, %arg5: memref<16xf32, #tpu.memory_space<vmem>>, %arg6: memref<4096x128xf32, #tpu.memory_space<vmem>>) attributes {dimension_semantics = [#tpu.dimension_semantics<arbitrary>], iteration_bounds = array<i64: 32>, scalar_prefetch = 0 : i64, scratch_operands = 0 : i64, tpu.core_type = #tpu.core_type<tc>, window_params = [{transform_indices = @transform_0, window_bounds = array<i64: 4096, 128>}, {pipeline_mode = #tpu.pipeline_mode<synchronous>, transform_indices = @transform_1, window_bounds = array<i64: 8, 16>}, {pipeline_mode = #tpu.pipeline_mode<synchronous>, transform_indices = @transform_2, window_bounds = array<i64: 16>}, {pipeline_mode = #tpu.pipeline_mode<synchronous>, transform_indices = @transform_3, window_bounds = array<i64: 16, 16>}, {pipeline_mode = #tpu.pipeline_mode<synchronous>, transform_indices = @transform_4, window_bounds = array<i64: 16>}, {transform_indices = @transform_5, window_bounds = array<i64: 4096, 128>}]} {
    %get3A = arith.constant 0 : index
    %get3A_0 = arith.constant 0 : index
    %get3A_1 = vector.load %arg1[%get3A, %get3A_0] : memref<4096x128xf32, #tpu.memory_space<vmem>>, vector<4096x128xf32>
    %get3A_2 = arith.constant 0 : index
    %get3A_3 = arith.constant 0 : index
    %get3A_4 = vector.load %arg2[%get3A_2, %get3A_3] : memref<8x16xf32, #tpu.memory_space<vmem>>, vector<8x16xf32>
    %get3A_5 = arith.constant 0 : index
    %get3A_6 = vector.load %arg3[%get3A_5] : memref<16xf32, #tpu.memory_space<vmem>>, vector<16xf32>
    %broadcast_in_dim3A = vector.shape_cast %get3A_6 : vector<16xf32> to vector<1x16xf32>
    %broadcast_in_dim3A_7 = arith.constant 0.000000e+00 : f32
    %broadcast_in_dim3A_8 = vector.broadcast %broadcast_in_dim3A_7 : f32 to vector<7x16xf32>
    %concatenate3A = tpu.concatenate %get3A_4, %broadcast_in_dim3A, %broadcast_in_dim3A_8 in 0 : vector<8x16xf32>, vector<1x16xf32>, vector<7x16xf32> -> vector<16x16xf32>
    %get3A_9 = arith.constant 0 : index
    %get3A_10 = arith.constant 0 : index
    %get3A_11 = vector.load %arg4[%get3A_9, %get3A_10] : memref<16x16xf32, #tpu.memory_space<vmem>>, vector<16x16xf32>
    %dot_general3A = arith.constant dense<0.000000e+00> : vector<16x16xf32>
    %dot_general3A_12 = tpu.matmul %concatenate3A, %get3A_11, %dot_general3A {dimension_numbers = #tpu.dot_dimension_numbers<[1], [0], [0], [1], [0, 0, 1, 1], [], []>, transpose_lhs_hint = false} : vector<16x16xf32>, vector<16x16xf32>, vector<16x16xf32> -> vector<16x16xf32>
    %broadcast_in_dim3A_13 = arith.constant 0.000000e+00 : f32
    %broadcast_in_dim3A_14 = vector.broadcast %broadcast_in_dim3A_13 : f32 to vector<16x16xf32>
    %concatenate3A_15 = tpu.concatenate %dot_general3A_12, %broadcast_in_dim3A_14, %broadcast_in_dim3A_14, %broadcast_in_dim3A_14, %broadcast_in_dim3A_14, %broadcast_in_dim3A_14, %broadcast_in_dim3A_14, %broadcast_in_dim3A_14 in 1 : vector<16x16xf32>, vector<16x16xf32>, vector<16x16xf32>, vector<16x16xf32>, vector<16x16xf32>, vector<16x16xf32>, vector<16x16xf32>, vector<16x16xf32> -> vector<16x128xf32>
    %concatenate3A_16 = tpu.concatenate %broadcast_in_dim3A_14, %dot_general3A_12, %broadcast_in_dim3A_14, %broadcast_in_dim3A_14, %broadcast_in_dim3A_14, %broadcast_in_dim3A_14, %broadcast_in_dim3A_14, %broadcast_in_dim3A_14 in 1 : vector<16x16xf32>, vector<16x16xf32>, vector<16x16xf32>, vector<16x16xf32>, vector<16x16xf32>, vector<16x16xf32>, vector<16x16xf32>, vector<16x16xf32> -> vector<16x128xf32>
    %concatenate3A_17 = tpu.concatenate %broadcast_in_dim3A_14, %broadcast_in_dim3A_14, %dot_general3A_12, %broadcast_in_dim3A_14, %broadcast_in_dim3A_14, %broadcast_in_dim3A_14, %broadcast_in_dim3A_14, %broadcast_in_dim3A_14 in 1 : vector<16x16xf32>, vector<16x16xf32>, vector<16x16xf32>, vector<16x16xf32>, vector<16x16xf32>, vector<16x16xf32>, vector<16x16xf32>, vector<16x16xf32> -> vector<16x128xf32>
    %concatenate3A_18 = tpu.concatenate %broadcast_in_dim3A_14, %broadcast_in_dim3A_14, %broadcast_in_dim3A_14, %dot_general3A_12, %broadcast_in_dim3A_14, %broadcast_in_dim3A_14, %broadcast_in_dim3A_14, %broadcast_in_dim3A_14 in 1 : vector<16x16xf32>, vector<16x16xf32>, vector<16x16xf32>, vector<16x16xf32>, vector<16x16xf32>, vector<16x16xf32>, vector<16x16xf32>, vector<16x16xf32> -> vector<16x128xf32>
    %concatenate3A_19 = tpu.concatenate %broadcast_in_dim3A_14, %broadcast_in_dim3A_14, %broadcast_in_dim3A_14, %broadcast_in_dim3A_14, %dot_general3A_12, %broadcast_in_dim3A_14, %broadcast_in_dim3A_14, %broadcast_in_dim3A_14 in 1 : vector<16x16xf32>, vector<16x16xf32>, vector<16x16xf32>, vector<16x16xf32>, vector<16x16xf32>, vector<16x16xf32>, vector<16x16xf32>, vector<16x16xf32> -> vector<16x128xf32>
    %concatenate3A_20 = tpu.concatenate %broadcast_in_dim3A_14, %broadcast_in_dim3A_14, %broadcast_in_dim3A_14, %broadcast_in_dim3A_14, %broadcast_in_dim3A_14, %dot_general3A_12, %broadcast_in_dim3A_14, %broadcast_in_dim3A_14 in 1 : vector<16x16xf32>, vector<16x16xf32>, vector<16x16xf32>, vector<16x16xf32>, vector<16x16xf32>, vector<16x16xf32>, vector<16x16xf32>, vector<16x16xf32> -> vector<16x128xf32>
    %concatenate3A_21 = tpu.concatenate %broadcast_in_dim3A_14, %broadcast_in_dim3A_14, %broadcast_in_dim3A_14, %broadcast_in_dim3A_14, %broadcast_in_dim3A_14, %broadcast_in_dim3A_14, %dot_general3A_12, %broadcast_in_dim3A_14 in 1 : vector<16x16xf32>, vector<16x16xf32>, vector<16x16xf32>, vector<16x16xf32>, vector<16x16xf32>, vector<16x16xf32>, vector<16x16xf32>, vector<16x16xf32> -> vector<16x128xf32>
    %concatenate3A_22 = tpu.concatenate %broadcast_in_dim3A_14, %broadcast_in_dim3A_14, %broadcast_in_dim3A_14, %broadcast_in_dim3A_14, %broadcast_in_dim3A_14, %broadcast_in_dim3A_14, %broadcast_in_dim3A_14, %dot_general3A_12 in 1 : vector<16x16xf32>, vector<16x16xf32>, vector<16x16xf32>, vector<16x16xf32>, vector<16x16xf32>, vector<16x16xf32>, vector<16x16xf32>, vector<16x16xf32> -> vector<16x128xf32>
    %concatenate3A_23 = tpu.concatenate %concatenate3A_15, %concatenate3A_16, %concatenate3A_17, %concatenate3A_18, %concatenate3A_19, %concatenate3A_20, %concatenate3A_21, %concatenate3A_22 in 0 : vector<16x128xf32>, vector<16x128xf32>, vector<16x128xf32>, vector<16x128xf32>, vector<16x128xf32>, vector<16x128xf32>, vector<16x128xf32>, vector<16x128xf32> -> vector<128x128xf32>
    %iota3A = tpu.iota {dimensions = array<i32: 0>} : vector<128x128xi32>
    %iota3A_24 = tpu.iota {dimensions = array<i32: 1>} : vector<128x128xi32>
    %jit3A = arith.constant 16 : i32
    %eq3A = arith.constant 0 : i32
    %eq3A_25 = arith.cmpi eq, %jit3A, %eq3A : i32
    %jit3A_26 = arith.constant 1 : i32
    %select_n3A = arith.select %eq3A_25, %jit3A_26, %jit3A : i32
    %rem3A = vector.broadcast %select_n3A : i32 to vector<128x128xi32>
    %rem3A_27 = arith.remsi %iota3A, %rem3A : vector<128x128xi32>
    %ne3A = arith.constant 0 : i32
    %ne3A_28 = vector.broadcast %ne3A : i32 to vector<128x128xi32>
    %ne3A_29 = arith.cmpi ne, %rem3A_27, %ne3A_28 : vector<128x128xi32>
    %lt3A = arith.constant 0 : i32
    %lt3A_30 = vector.broadcast %lt3A : i32 to vector<128x128xi32>
    %lt3A_31 = arith.cmpi slt, %rem3A_27, %lt3A_30 : vector<128x128xi32>
    %lt3A_32 = arith.constant 0 : i32
    %lt3A_33 = arith.cmpi slt, %select_n3A, %lt3A_32 : i32
    %ne3A_34 = vector.broadcast %lt3A_33 : i1 to vector<128x128xi1>
    %ne3A_35 = vector.broadcast %ne3A_34 : vector<128x128xi1> to vector<128x128xi1>
    %ne3A_36 = arith.xori %lt3A_31, %ne3A_35 : vector<128x128xi1>
    %and3A = arith.andi %ne3A_36, %ne3A_29 : vector<128x128xi1>
    %add3A = vector.broadcast %select_n3A : i32 to vector<128x128xi32>
    %add3A_37 = arith.addi %rem3A_27, %add3A : vector<128x128xi32>
    %select_n3A_38 = arith.select %and3A, %add3A_37, %rem3A_27 : vector<128x128xi1>, vector<128x128xi32>
    %eq3A_39 = arith.constant 8 : i32
    %eq3A_40 = vector.broadcast %eq3A_39 : i32 to vector<128x128xi32>
    %eq3A_41 = arith.cmpi eq, %select_n3A_38, %eq3A_40 : vector<128x128xi32>
    %jit3A_42 = arith.constant 16 : i32
    %div3A = vector.broadcast %jit3A_42 : i32 to vector<128x128xi32>
    %div3A_43 = arith.divsi %iota3A, %div3A : vector<128x128xi32>
    %sign3A = arith.constant 0 : i32
    %sign3A_44 = vector.broadcast %sign3A : i32 to vector<128x128xi32>
    %sign3A_45 = arith.cmpi sgt, %iota3A, %sign3A_44 : vector<128x128xi32>
    %sign3A_46 = arith.extui %sign3A_45 : vector<128x128xi1> to vector<128x128xi32>
    %sign3A_47 = arith.constant 0 : i32
    %sign3A_48 = vector.broadcast %sign3A_47 : i32 to vector<128x128xi32>
    %sign3A_49 = arith.cmpi slt, %iota3A, %sign3A_48 : vector<128x128xi32>
    %sign3A_50 = arith.extui %sign3A_49 : vector<128x128xi1> to vector<128x128xi32>
    %sign3A_51 = arith.subi %sign3A_46, %sign3A_50 : vector<128x128xi32>
    %sign3A_52 = arith.constant 0 : i32
    %sign3A_53 = arith.cmpi sgt, %jit3A_42, %sign3A_52 : i32
    %sign3A_54 = arith.extui %sign3A_53 : i1 to i32
    %sign3A_55 = arith.constant 0 : i32
    %sign3A_56 = arith.cmpi slt, %jit3A_42, %sign3A_55 : i32
    %sign3A_57 = arith.extui %sign3A_56 : i1 to i32
    %sign3A_58 = arith.subi %sign3A_54, %sign3A_57 : i32
    %ne3A_59 = vector.broadcast %sign3A_58 : i32 to vector<128x128xi32>
    %ne3A_60 = arith.cmpi ne, %sign3A_51, %ne3A_59 : vector<128x128xi32>
    %rem3A_61 = vector.broadcast %jit3A_42 : i32 to vector<128x128xi32>
    %rem3A_62 = arith.remsi %iota3A, %rem3A_61 : vector<128x128xi32>
    %ne3A_63 = arith.constant 0 : i32
    %ne3A_64 = vector.broadcast %ne3A_63 : i32 to vector<128x128xi32>
    %ne3A_65 = arith.cmpi ne, %rem3A_62, %ne3A_64 : vector<128x128xi32>
    %and3A_66 = arith.andi %ne3A_60, %ne3A_65 : vector<128x128xi1>
    %sub3A = arith.constant 1 : i32
    %sub3A_67 = vector.broadcast %sub3A : i32 to vector<128x128xi32>
    %sub3A_68 = arith.subi %div3A_43, %sub3A_67 : vector<128x128xi32>
    %select_n3A_69 = arith.select %and3A_66, %sub3A_68, %div3A_43 : vector<128x128xi1>, vector<128x128xi32>
    %jit3A_70 = arith.constant 16 : i32
    %div3A_71 = vector.broadcast %jit3A_70 : i32 to vector<128x128xi32>
    %div3A_72 = arith.divsi %iota3A_24, %div3A_71 : vector<128x128xi32>
    %sign3A_73 = arith.constant 0 : i32
    %sign3A_74 = vector.broadcast %sign3A_73 : i32 to vector<128x128xi32>
    %sign3A_75 = arith.cmpi sgt, %iota3A_24, %sign3A_74 : vector<128x128xi32>
    %sign3A_76 = arith.extui %sign3A_75 : vector<128x128xi1> to vector<128x128xi32>
    %sign3A_77 = arith.constant 0 : i32
    %sign3A_78 = vector.broadcast %sign3A_77 : i32 to vector<128x128xi32>
    %sign3A_79 = arith.cmpi slt, %iota3A_24, %sign3A_78 : vector<128x128xi32>
    %sign3A_80 = arith.extui %sign3A_79 : vector<128x128xi1> to vector<128x128xi32>
    %sign3A_81 = arith.subi %sign3A_76, %sign3A_80 : vector<128x128xi32>
    %sign3A_82 = arith.constant 0 : i32
    %sign3A_83 = arith.cmpi sgt, %jit3A_70, %sign3A_82 : i32
    %sign3A_84 = arith.extui %sign3A_83 : i1 to i32
    %sign3A_85 = arith.constant 0 : i32
    %sign3A_86 = arith.cmpi slt, %jit3A_70, %sign3A_85 : i32
    %sign3A_87 = arith.extui %sign3A_86 : i1 to i32
    %sign3A_88 = arith.subi %sign3A_84, %sign3A_87 : i32
    %ne3A_89 = vector.broadcast %sign3A_88 : i32 to vector<128x128xi32>
    %ne3A_90 = arith.cmpi ne, %sign3A_81, %ne3A_89 : vector<128x128xi32>
    %rem3A_91 = vector.broadcast %jit3A_70 : i32 to vector<128x128xi32>
    %rem3A_92 = arith.remsi %iota3A_24, %rem3A_91 : vector<128x128xi32>
    %ne3A_93 = arith.constant 0 : i32
    %ne3A_94 = vector.broadcast %ne3A_93 : i32 to vector<128x128xi32>
    %ne3A_95 = arith.cmpi ne, %rem3A_92, %ne3A_94 : vector<128x128xi32>
    %and3A_96 = arith.andi %ne3A_90, %ne3A_95 : vector<128x128xi1>
    %sub3A_97 = arith.constant 1 : i32
    %sub3A_98 = vector.broadcast %sub3A_97 : i32 to vector<128x128xi32>
    %sub3A_99 = arith.subi %div3A_72, %sub3A_98 : vector<128x128xi32>
    %select_n3A_100 = arith.select %and3A_96, %sub3A_99, %div3A_72 : vector<128x128xi1>, vector<128x128xi32>
    %eq3A_101 = arith.cmpi eq, %select_n3A_69, %select_n3A_100 : vector<128x128xi32>
    %and3A_102 = arith.andi %eq3A_41, %eq3A_101 : vector<128x128xi1>
    %convert_element_type3A = arith.extui %and3A_102 : vector<128x128xi1> to vector<128x128xi32>
    %convert_element_type3A_103 = arith.sitofp %convert_element_type3A : vector<128x128xi32> to vector<128x128xf32>
    %get3A_104 = arith.constant 0 : index
    %get3A_105 = vector.load %arg5[%get3A_104] : memref<16xf32, #tpu.memory_space<vmem>>, vector<16xf32>
    %broadcast_in_dim3A_106 = vector.shape_cast %get3A_105 : vector<16xf32> to vector<1x16xf32>
    %concatenate3A_107 = tpu.concatenate %broadcast_in_dim3A_106, %broadcast_in_dim3A_106, %broadcast_in_dim3A_106, %broadcast_in_dim3A_106, %broadcast_in_dim3A_106, %broadcast_in_dim3A_106, %broadcast_in_dim3A_106, %broadcast_in_dim3A_106 in 1 : vector<1x16xf32>, vector<1x16xf32>, vector<1x16xf32>, vector<1x16xf32>, vector<1x16xf32>, vector<1x16xf32>, vector<1x16xf32>, vector<1x16xf32> -> vector<1x128xf32>
    %dot_general3A_108 = arith.constant dense<0.000000e+00> : vector<4096x128xf32>
    %dot_general3A_109 = tpu.matmul %get3A_1, %concatenate3A_23, %dot_general3A_108 {dimension_numbers = #tpu.dot_dimension_numbers<[1], [0], [0], [1], [0, 0, 1, 1], [], []>, transpose_lhs_hint = false} : vector<4096x128xf32>, vector<128x128xf32>, vector<4096x128xf32> -> vector<4096x128xf32>
    %dot_general3A_110 = arith.constant dense<0.000000e+00> : vector<4096x128xf32>
    %dot_general3A_111 = tpu.matmul %get3A_1, %convert_element_type3A_103, %dot_general3A_110 {dimension_numbers = #tpu.dot_dimension_numbers<[1], [0], [0], [1], [0, 0, 1, 1], [], []>, transpose_lhs_hint = false} : vector<4096x128xf32>, vector<128x128xf32>, vector<4096x128xf32> -> vector<4096x128xf32>
    %add3A_112 = vector.broadcast %concatenate3A_107 : vector<1x128xf32> to vector<4096x128xf32>
    %add3A_113 = arith.addf %dot_general3A_109, %add3A_112 : vector<4096x128xf32>
    %mul3A = arith.mulf %add3A_113, %dot_general3A_111 : vector<4096x128xf32>
    %swap3A = arith.constant 0 : index
    %swap3A_114 = arith.constant 0 : index
    %swap3A_115 = vector.load %arg6[%swap3A, %swap3A_114] : memref<4096x128xf32, #tpu.memory_space<vmem>>, vector<4096x128xf32>
    tpu.vector_store %arg6[%swap3A, %swap3A_114], %mul3A {strides = array<i32>} : memref<4096x128xf32, #tpu.memory_space<vmem>>, vector<4096x128xf32>,
    return
  }
  func.func @transform_0(%arg0: i32) -> (i32, i32) {
    %c0_i32 = arith.constant 0 : i32
    %c0_i32_0 = arith.constant 0 : i32
    return %arg0, %c0_i32 : i32, i32
  }
  func.func @transform_1(%arg0: i32) -> (i32, i32) {
    %c0_i32 = arith.constant 0 : i32
    %c0_i32_0 = arith.constant 0 : i32
    %c0_i32_1 = arith.constant 0 : i32
    return %c0_i32, %c0_i32_0 : i32, i32
  }
  func.func @transform_2(%arg0: i32) -> i32 {
    %c0_i32 = arith.constant 0 : i32
    %c0_i32_0 = arith.constant 0 : i32
    return %c0_i32 : i32
  }
  func.func @transform_3(%arg0: i32) -> (i32, i32) {
    %c0_i32 = arith.constant 0 : i32
    %c0_i32_0 = arith.constant 0 : i32
    %c0_i32_1 = arith.constant 0 : i32
    return %c0_i32, %c0_i32_0 : i32, i32
  }
  func.func @transform_4(%arg0: i32) -> i32 {
    %c0_i32 = arith.constant 0 : i32
    %c0_i32_0 = arith.constant 0 : i32
    return %c0_i32 : i32
  }
  func.func @transform_5(%arg0: i32) -> (i32, i32) {
    %c0_i32 = arith.constant 0 : i32
    %c0_i32_0 = arith.constant 0 : i32
    return %arg0, %c0_i32 : i32, i32
  }
}

module attributes {stable_mosaic.version = 14 : i64} {
  func.func @_node_body(%arg0: memref<1536x8xf32, #tpu.memory_space<vmem>>, %arg1: memref<1024xi32, #tpu.memory_space<vmem>>, %arg2: memref<8x128xf32, #tpu.memory_space<vmem>>, %arg3: memref<128xf32, #tpu.memory_space<vmem>>, %arg4: memref<128x128xf32, #tpu.memory_space<vmem>>, %arg5: memref<128xf32, #tpu.memory_space<vmem>>, %arg6: memref<2048x128xf32, #tpu.memory_space<vmem>>, %arg7: memref<4x512xi32, #tpu.memory_space<vmem>>) attributes {dimension_semantics = [], scalar_prefetch = 0 : i64, scratch_operands = 0 : i64, tpu.core_type = #tpu.core_type<tc>} {
    %get3A = arith.constant 0 : index
    %get3A_0 = vector.load %arg1[%get3A] : memref<1024xi32, #tpu.memory_space<vmem>>, vector<1024xi32>
    %lt3A = arith.constant 1 : i32
    %lt3A_1 = vector.broadcast %lt3A : i32 to vector<1024xi32>
    %lt3A_2 = arith.cmpi slt, %get3A_0, %lt3A_1 : vector<1024xi32>
    %convert_element_type3A = arith.extui %lt3A_2 : vector<1024xi1> to vector<1024xi32>
    %reduce_sum3A = vector.shape_cast %convert_element_type3A : vector<1024xi32> to vector<1x1024xi32>
    %reduce_sum3A_3 = arith.constant dense<0> : vector<1xi32>
    %reduce_sum3A_4 = vector.multi_reduction <add>, %reduce_sum3A, %reduce_sum3A_3 [1] : vector<1x1024xi32> to vector<1xi32>
    %reduce_sum3A_5 = vector.shape_cast %reduce_sum3A_4 : vector<1xi32> to vector<1x1xi32>
    %reduce_sum3A_6 = vector.extract %reduce_sum3A_5[0, 0] : i32 from vector<1x1xi32>
    %lt3A_7 = arith.constant 2 : i32
    %lt3A_8 = vector.broadcast %lt3A_7 : i32 to vector<1024xi32>
    %lt3A_9 = arith.cmpi slt, %get3A_0, %lt3A_8 : vector<1024xi32>
    %convert_element_type3A_10 = arith.extui %lt3A_9 : vector<1024xi1> to vector<1024xi32>
    %reduce_sum3A_11 = vector.shape_cast %convert_element_type3A_10 : vector<1024xi32> to vector<1x1024xi32>
    %reduce_sum3A_12 = arith.constant dense<0> : vector<1xi32>
    %reduce_sum3A_13 = vector.multi_reduction <add>, %reduce_sum3A_11, %reduce_sum3A_12 [1] : vector<1x1024xi32> to vector<1xi32>
    %reduce_sum3A_14 = vector.shape_cast %reduce_sum3A_13 : vector<1xi32> to vector<1x1xi32>
    %reduce_sum3A_15 = vector.extract %reduce_sum3A_14[0, 0] : i32 from vector<1x1xi32>
    %lt3A_16 = arith.constant 3 : i32
    %lt3A_17 = vector.broadcast %lt3A_16 : i32 to vector<1024xi32>
    %lt3A_18 = arith.cmpi slt, %get3A_0, %lt3A_17 : vector<1024xi32>
    %convert_element_type3A_19 = arith.extui %lt3A_18 : vector<1024xi1> to vector<1024xi32>
    %reduce_sum3A_20 = vector.shape_cast %convert_element_type3A_19 : vector<1024xi32> to vector<1x1024xi32>
    %reduce_sum3A_21 = arith.constant dense<0> : vector<1xi32>
    %reduce_sum3A_22 = vector.multi_reduction <add>, %reduce_sum3A_20, %reduce_sum3A_21 [1] : vector<1x1024xi32> to vector<1xi32>
    %reduce_sum3A_23 = vector.shape_cast %reduce_sum3A_22 : vector<1xi32> to vector<1x1xi32>
    %reduce_sum3A_24 = vector.extract %reduce_sum3A_23[0, 0] : i32 from vector<1x1xi32>
    %get3A_25 = arith.constant 0 : index
    %get3A_26 = arith.constant 0 : index
    %get3A_27 = vector.load %arg2[%get3A_25, %get3A_26] : memref<8x128xf32, #tpu.memory_space<vmem>>, vector<8x128xf32>
    %get3A_28 = arith.constant 0 : index
    %get3A_29 = arith.constant 0 : index
    %get3A_30 = vector.load %arg4[%get3A_28, %get3A_29] : memref<128x128xf32, #tpu.memory_space<vmem>>, vector<128x128xf32>
    %dot_general3A = arith.constant dense<0.000000e+00> : vector<8x128xf32>
    %dot_general3A_31 = tpu.matmul %get3A_27, %get3A_30, %dot_general3A {dimension_numbers = #tpu.dot_dimension_numbers<[1], [0], [0], [1], [0, 0, 1, 1], [], []>, transpose_lhs_hint = false} : vector<8x128xf32>, vector<128x128xf32>, vector<8x128xf32> -> vector<8x128xf32>
    %get3A_32 = arith.constant 0 : index
    %get3A_33 = vector.load %arg3[%get3A_32] : memref<128xf32, #tpu.memory_space<vmem>>, vector<128xf32>
    %broadcast_in_dim3A = vector.shape_cast %get3A_33 : vector<128xf32> to vector<1x128xf32>
    %get3A_34 = arith.constant 0 : index
    %get3A_35 = arith.constant 0 : index
    %get3A_36 = vector.load %arg4[%get3A_34, %get3A_35] : memref<128x128xf32, #tpu.memory_space<vmem>>, vector<128x128xf32>
    %dot_general3A_37 = arith.constant dense<0.000000e+00> : vector<1x128xf32>
    %dot_general3A_38 = tpu.matmul %broadcast_in_dim3A, %get3A_36, %dot_general3A_37 {dimension_numbers = #tpu.dot_dimension_numbers<[1], [0], [0], [1], [0, 0, 1, 1], [], []>, transpose_lhs_hint = false} : vector<1x128xf32>, vector<128x128xf32>, vector<1x128xf32> -> vector<1x128xf32>
    %get3A_39 = arith.constant 0 : index
    %get3A_40 = vector.load %arg5[%get3A_39] : memref<128xf32, #tpu.memory_space<vmem>>, vector<128xf32>
    %broadcast_in_dim3A_41 = vector.shape_cast %get3A_40 : vector<128xf32> to vector<1x128xf32>
    %add3A = arith.addf %dot_general3A_38, %broadcast_in_dim3A_41 : vector<1x128xf32>
    %sub3A = arith.constant 0 : i32
    %sub3A_42 = arith.subi %reduce_sum3A_6, %sub3A : i32
    %get3A_43 = arith.constant 0 : index
    %get3A_44 = arith.constant 0 : index
    %get3A_45 = vector.load %arg0[%get3A_43, %get3A_44] : memref<1536x8xf32, #tpu.memory_space<vmem>>, vector<512x8xf32>
    %iota3A = tpu.iota {dimensions = array<i32: 0>} : vector<512x128xi32>
    %lt3A_46 = vector.broadcast %sub3A_42 : i32 to vector<512x128xi32>
    %lt3A_47 = arith.cmpi slt, %iota3A, %lt3A_46 : vector<512x128xi32>
    %convert_element_type3A_48 = arith.extui %lt3A_47 : vector<512x128xi1> to vector<512x128xi32>
    %convert_element_type3A_49 = arith.sitofp %convert_element_type3A_48 : vector<512x128xi32> to vector<512x128xf32>
    %dot_general3A_50 = arith.constant dense<0.000000e+00> : vector<512x128xf32>
    %dot_general3A_51 = tpu.matmul %get3A_45, %dot_general3A_31, %dot_general3A_50 {dimension_numbers = #tpu.dot_dimension_numbers<[1], [0], [0], [1], [0, 0, 1, 1], [], []>, transpose_lhs_hint = false} : vector<512x8xf32>, vector<8x128xf32>, vector<512x128xf32> -> vector<512x128xf32>
    %add3A_52 = vector.broadcast %add3A : vector<1x128xf32> to vector<512x128xf32>
    %add3A_53 = arith.addf %dot_general3A_51, %add3A_52 : vector<512x128xf32>
    %mul3A = arith.mulf %add3A_53, %convert_element_type3A_49 : vector<512x128xf32>
    %swap3A = arith.constant 0 : index
    %swap3A_54 = arith.constant 0 : index
    %swap3A_55 = vector.load %arg6[%swap3A, %swap3A_54] : memref<2048x128xf32, #tpu.memory_space<vmem>>, vector<512x128xf32>
    tpu.vector_store %arg6[%swap3A, %swap3A_54], %mul3A {strides = array<i32>} : memref<2048x128xf32, #tpu.memory_space<vmem>>, vector<512x128xf32>,
    %iota3A_56 = tpu.iota {dimensions = array<i32: 1>} : vector<1x512xi32>
    %lt3A_57 = vector.broadcast %sub3A_42 : i32 to vector<1x512xi32>
    %lt3A_58 = arith.cmpi slt, %iota3A_56, %lt3A_57 : vector<1x512xi32>
    %convert_element_type3A_59 = arith.extui %lt3A_58 : vector<1x512xi1> to vector<1x512xi32>
    %swap3A_60 = arith.constant 0 : index
    %swap3A_61 = arith.constant 0 : index
    %swap3A_62 = vector.load %arg7[%swap3A_60, %swap3A_61] : memref<4x512xi32, #tpu.memory_space<vmem>>, vector<1x512xi32>
    tpu.vector_store %arg7[%swap3A_60, %swap3A_61], %convert_element_type3A_59 {strides = array<i32>} : memref<4x512xi32, #tpu.memory_space<vmem>>, vector<1x512xi32>,
    %sub3A_63 = arith.subi %reduce_sum3A_15, %reduce_sum3A_6 : i32
    %get3A_64 = arith.index_cast %reduce_sum3A_6 : i32 to index
    %get3A_65 = arith.constant 0 : index
    %get3A_66 = vector.load %arg0[%get3A_64, %get3A_65] : memref<1536x8xf32, #tpu.memory_space<vmem>>, vector<512x8xf32>
    %iota3A_67 = tpu.iota {dimensions = array<i32: 0>} : vector<512x128xi32>
    %lt3A_68 = vector.broadcast %sub3A_63 : i32 to vector<512x128xi32>
    %lt3A_69 = arith.cmpi slt, %iota3A_67, %lt3A_68 : vector<512x128xi32>
    %convert_element_type3A_70 = arith.extui %lt3A_69 : vector<512x128xi1> to vector<512x128xi32>
    %convert_element_type3A_71 = arith.sitofp %convert_element_type3A_70 : vector<512x128xi32> to vector<512x128xf32>
    %dot_general3A_72 = arith.constant dense<0.000000e+00> : vector<512x128xf32>
    %dot_general3A_73 = tpu.matmul %get3A_66, %dot_general3A_31, %dot_general3A_72 {dimension_numbers = #tpu.dot_dimension_numbers<[1], [0], [0], [1], [0, 0, 1, 1], [], []>, transpose_lhs_hint = false} : vector<512x8xf32>, vector<8x128xf32>, vector<512x128xf32> -> vector<512x128xf32>
    %add3A_74 = vector.broadcast %add3A : vector<1x128xf32> to vector<512x128xf32>
    %add3A_75 = arith.addf %dot_general3A_73, %add3A_74 : vector<512x128xf32>
    %mul3A_76 = arith.mulf %add3A_75, %convert_element_type3A_71 : vector<512x128xf32>
    %swap3A_77 = arith.constant 512 : index
    %swap3A_78 = arith.constant 0 : index
    %swap3A_79 = vector.load %arg6[%swap3A_77, %swap3A_78] : memref<2048x128xf32, #tpu.memory_space<vmem>>, vector<512x128xf32>
    tpu.vector_store %arg6[%swap3A_77, %swap3A_78], %mul3A_76 {strides = array<i32>} : memref<2048x128xf32, #tpu.memory_space<vmem>>, vector<512x128xf32>,
    %iota3A_80 = tpu.iota {dimensions = array<i32: 1>} : vector<1x512xi32>
    %lt3A_81 = vector.broadcast %sub3A_63 : i32 to vector<1x512xi32>
    %lt3A_82 = arith.cmpi slt, %iota3A_80, %lt3A_81 : vector<1x512xi32>
    %convert_element_type3A_83 = arith.extui %lt3A_82 : vector<1x512xi1> to vector<1x512xi32>
    %swap3A_84 = arith.constant 1 : index
    %swap3A_85 = arith.constant 0 : index
    %swap3A_86 = vector.load %arg7[%swap3A_84, %swap3A_85] : memref<4x512xi32, #tpu.memory_space<vmem>>, vector<1x512xi32>
    tpu.vector_store %arg7[%swap3A_84, %swap3A_85], %convert_element_type3A_83 {strides = array<i32>} : memref<4x512xi32, #tpu.memory_space<vmem>>, vector<1x512xi32>,
    %sub3A_87 = arith.subi %reduce_sum3A_24, %reduce_sum3A_15 : i32
    %get3A_88 = arith.index_cast %reduce_sum3A_15 : i32 to index
    %get3A_89 = arith.constant 0 : index
    %get3A_90 = vector.load %arg0[%get3A_88, %get3A_89] : memref<1536x8xf32, #tpu.memory_space<vmem>>, vector<512x8xf32>
    %iota3A_91 = tpu.iota {dimensions = array<i32: 0>} : vector<512x128xi32>
    %lt3A_92 = vector.broadcast %sub3A_87 : i32 to vector<512x128xi32>
    %lt3A_93 = arith.cmpi slt, %iota3A_91, %lt3A_92 : vector<512x128xi32>
    %convert_element_type3A_94 = arith.extui %lt3A_93 : vector<512x128xi1> to vector<512x128xi32>
    %convert_element_type3A_95 = arith.sitofp %convert_element_type3A_94 : vector<512x128xi32> to vector<512x128xf32>
    %dot_general3A_96 = arith.constant dense<0.000000e+00> : vector<512x128xf32>
    %dot_general3A_97 = tpu.matmul %get3A_90, %dot_general3A_31, %dot_general3A_96 {dimension_numbers = #tpu.dot_dimension_numbers<[1], [0], [0], [1], [0, 0, 1, 1], [], []>, transpose_lhs_hint = false} : vector<512x8xf32>, vector<8x128xf32>, vector<512x128xf32> -> vector<512x128xf32>
    %add3A_98 = vector.broadcast %add3A : vector<1x128xf32> to vector<512x128xf32>
    %add3A_99 = arith.addf %dot_general3A_97, %add3A_98 : vector<512x128xf32>
    %mul3A_100 = arith.mulf %add3A_99, %convert_element_type3A_95 : vector<512x128xf32>
    %swap3A_101 = arith.constant 1024 : index
    %swap3A_102 = arith.constant 0 : index
    %swap3A_103 = vector.load %arg6[%swap3A_101, %swap3A_102] : memref<2048x128xf32, #tpu.memory_space<vmem>>, vector<512x128xf32>
    tpu.vector_store %arg6[%swap3A_101, %swap3A_102], %mul3A_100 {strides = array<i32>} : memref<2048x128xf32, #tpu.memory_space<vmem>>, vector<512x128xf32>,
    %iota3A_104 = tpu.iota {dimensions = array<i32: 1>} : vector<1x512xi32>
    %lt3A_105 = vector.broadcast %sub3A_87 : i32 to vector<1x512xi32>
    %lt3A_106 = arith.cmpi slt, %iota3A_104, %lt3A_105 : vector<1x512xi32>
    %convert_element_type3A_107 = arith.extui %lt3A_106 : vector<1x512xi1> to vector<1x512xi32>
    %swap3A_108 = arith.constant 2 : index
    %swap3A_109 = arith.constant 0 : index
    %swap3A_110 = vector.load %arg7[%swap3A_108, %swap3A_109] : memref<4x512xi32, #tpu.memory_space<vmem>>, vector<1x512xi32>
    tpu.vector_store %arg7[%swap3A_108, %swap3A_109], %convert_element_type3A_107 {strides = array<i32>} : memref<4x512xi32, #tpu.memory_space<vmem>>, vector<1x512xi32>,
    %sub3A_111 = arith.constant 1024 : i32
    %sub3A_112 = arith.subi %sub3A_111, %reduce_sum3A_24 : i32
    %get3A_113 = arith.index_cast %reduce_sum3A_24 : i32 to index
    %get3A_114 = arith.constant 0 : index
    %get3A_115 = vector.load %arg0[%get3A_113, %get3A_114] : memref<1536x8xf32, #tpu.memory_space<vmem>>, vector<512x8xf32>
    %iota3A_116 = tpu.iota {dimensions = array<i32: 0>} : vector<512x128xi32>
    %lt3A_117 = vector.broadcast %sub3A_112 : i32 to vector<512x128xi32>
    %lt3A_118 = arith.cmpi slt, %iota3A_116, %lt3A_117 : vector<512x128xi32>
    %convert_element_type3A_119 = arith.extui %lt3A_118 : vector<512x128xi1> to vector<512x128xi32>
    %convert_element_type3A_120 = arith.sitofp %convert_element_type3A_119 : vector<512x128xi32> to vector<512x128xf32>
    %dot_general3A_121 = arith.constant dense<0.000000e+00> : vector<512x128xf32>
    %dot_general3A_122 = tpu.matmul %get3A_115, %dot_general3A_31, %dot_general3A_121 {dimension_numbers = #tpu.dot_dimension_numbers<[1], [0], [0], [1], [0, 0, 1, 1], [], []>, transpose_lhs_hint = false} : vector<512x8xf32>, vector<8x128xf32>, vector<512x128xf32> -> vector<512x128xf32>
    %add3A_123 = vector.broadcast %add3A : vector<1x128xf32> to vector<512x128xf32>
    %add3A_124 = arith.addf %dot_general3A_122, %add3A_123 : vector<512x128xf32>
    %mul3A_125 = arith.mulf %add3A_124, %convert_element_type3A_120 : vector<512x128xf32>
    %swap3A_126 = arith.constant 1536 : index
    %swap3A_127 = arith.constant 0 : index
    %swap3A_128 = vector.load %arg6[%swap3A_126, %swap3A_127] : memref<2048x128xf32, #tpu.memory_space<vmem>>, vector<512x128xf32>
    tpu.vector_store %arg6[%swap3A_126, %swap3A_127], %mul3A_125 {strides = array<i32>} : memref<2048x128xf32, #tpu.memory_space<vmem>>, vector<512x128xf32>,
    %iota3A_129 = tpu.iota {dimensions = array<i32: 1>} : vector<1x512xi32>
    %lt3A_130 = vector.broadcast %sub3A_112 : i32 to vector<1x512xi32>
    %lt3A_131 = arith.cmpi slt, %iota3A_129, %lt3A_130 : vector<1x512xi32>
    %convert_element_type3A_132 = arith.extui %lt3A_131 : vector<1x512xi1> to vector<1x512xi32>
    %swap3A_133 = arith.constant 3 : index
    %swap3A_134 = arith.constant 0 : index
    %swap3A_135 = vector.load %arg7[%swap3A_133, %swap3A_134] : memref<4x512xi32, #tpu.memory_space<vmem>>, vector<1x512xi32>
    tpu.vector_store %arg7[%swap3A_133, %swap3A_134], %convert_element_type3A_132 {strides = array<i32>} : memref<4x512xi32, #tpu.memory_space<vmem>>, vector<1x512xi32>,
    return
  }
}

</mosaic_0001>

<sc_bundles>
// kernel: kernel.5.cloned.1.call-start
scs
__scs_entry_jumppad:
0x0: {  	(pc) =	sbr.rel $0x88, $3  }
0x1: {  	(tag) =	ssettag $0x0;
	lr =	simm.s32 $0x1  }
0x2: {  	[smem:$0x3F95] =	sst lr;
	_ =	strace $0xD0000000  }
0x3: {  	_ = 	snop  }
0x4: {  	_ = 	snop  }
0x5: {  	_ = 	snop  }
0x6: {  	_ = 	snop  }
0x7: {  	_ = 	snop  }
__scs_overlays_trampoline_lowered:
0x8: {  	[smem:$0x3FA4] =	sst s0  }
0x9: {  	[smem:$0x3FA5] =	sst s1  }
0xa: {  	[smem:$0x3FA6] =	sst s2  }
0xb: {  	[smem:$0x3FA7] =	sst s3  }
0xc: {  	[smem:$0x3FA8] =	sst s4  }
0xd: {  	[smem:$0x3FA9] =	sst s5  }
0xe: {  	[smem:$0x3FAA] =	sst s6  }
0xf: {  	[smem:$0x3FAB] =	sst s7  }
0x10: {  	[smem:$0x3FAC] =	sst s8  }
0x11: {  	[smem:$0x3FAD] =	sst s9;
	s0 =	simm.s32 @!p0 $0x0  }
0x12: {  	s1 =	sld [smem:$0x3F93];
	s0 =	simm.s32 @p0 $0x1  }
0x13: {  	[smem:$0x3FAE] =	sst s0;
	s0 =	simm.s32 @!p1 $0x0  }
0x14: {  	s2 =	sld [smem:$0x3F92];
	s0 =	simm.s32 @p1 $0x1  }
0x15: {  	[smem:$0x3FAF] =	sst s0;
	s0 =	simm.s32 @!p2 $0x0  }
0x16: {  	s3 =	sld [smem:$0x3FDB];
	s0 =	simm.s32 @p2 $0x1  }
0x17: {  	s4 =	simm.s32 $0x1BF5;
	[smem:$0x3FB1] =	sst s0  }
0x18: {  	s0 =	sld [smem:$0x3F94];
	_ =	swait.ge [sflag:s4], $0x0  }
0x19: {  	s7 =	sld [smem:$0x3F95]  }
0x1a: {  	s8 =	sadd.s32 $0xFFFFE003, lr  }
0x1b: {  	s9 =	sadd.s32 $0xFFFFFEF7, lr;
	s5 =	simm.s32 $0xFFFFFFFF;
	p2 =	slt.u32 s8, $0xFFFFF086  }
0x1c: {  	p1 =	slt.u32 s9, $0xF7A;
	s5 =	simm.s32 @!p2 $0x0  }
0x1d: {  	s5 =	simm.s32 @p1 $0x1;
	p0 =	seq.s32 s7, s2  }
0x1e: {  	s7 =	smul.u32 @!p0 $0xF7A, s2;
	p2 =	seq.s32 @!p0 s5, $0x0  }
0x1f: {  	s9 =	smul.u32 $0xF7A, s1;
	s8 =	simm.s32 @!p0 $0x1BF5;
	p2 =	por !p2, p0  }
0x20: {  	[sflag:s8] =	ssyncset.s32 @!p0 $0xFFFFF086;
	s6 =	sadd.s32 @!p0 s3, s7;
	s7 =	simm.s32 @!p0 $0x108  }
0x21: {  	s3 =	sadd.s32 s3, s9;
	s6 =	sadd.s32 @!p0 $0x88, s6;
	s7 =	simm.s32 @p2 $0x1082  }
0x22: {  	[simem:s7], [sflag:s8] =	dma.local @!p0 [hbm:s6], $0xF7A  }
0x23: {  	s9 =	sor.u32 $0xD0000000, s2;
	s6 =	simm.s32 $0x108;
	_ =	swait.ge @!p0 [sflag:s8], $0x0  }
0x24: {  	s3 =	sadd.s32 $0x88, s3;
	s6 =	simm.s32 @!p1 $0x1082;
	[sflag:s4] =	ssyncset.s32 $0xFFFFF086  }
0x25: {  	[simem:s6], [sflag:s4] =	dma.local [hbm:s3], $0xF7A  }
0x26: {  	[smem:$0x3F95] =	sst s1;
	(tag) =	ssettag s2;
	_ =	strace s9  }
0x27: {  	s1 =	sld [smem:$0x3FA5]  }
0x28: {  	s2 =	sld [smem:$0x3FA6]  }
0x29: {  	s4 =	sld [smem:$0x3FA8]  }
0x2a: {  	p0 =	seq.s32 s5, $0x0;
	s5 =	sld [smem:$0x3FA9]  }
0x2b: {  	s6 =	sld [smem:$0x3FAA]  }
0x2c: {  	s7 =	sld [smem:$0x3FAB]  }
0x2d: {  	s3 =	simm.s32 $0x108;
	s8 =	sld [smem:$0x3FAC]  }
0x2e: {  	s3 =	simm.s32 @!p0 $0x1082;
	s9 =	sld [smem:$0x3FAD]  }
0x2f: {  	lr =	sadd.s32 s0, s3;
	s0 =	sld [smem:$0x3FA4]  }
0x30: {  	s3 =	sld [smem:$0x3FA7]  }
0x31: {  	[smem:$0x3FB0] =	sst s10  }
0x32: {  	s10 =	sld [smem:$0x3FAE];
	_ =	sdelay $0x3  }
0x33: {  	p0 =	seq.s32 s10, $0x1;
	s10 =	sld [smem:$0x3FB0];
	_ =	sdelay $0x3  }
0x34: {  	[smem:$0x3FB0] =	sst s10  }
0x35: {  	s10 =	sld [smem:$0x3FAF];
	_ =	sdelay $0x3  }
0x36: {  	p1 =	seq.s32 s10, $0x1;
	s10 =	sld [smem:$0x3FB0];
	_ =	sdelay $0x3  }
0x37: {  	[smem:$0x3FB0] =	sst s10  }
0x38: {  	s10 =	sld [smem:$0x3FB1]  }
0x39: {  	_ = 	snop;
	(pc) =	sbr.ind lr, $3  }
0x3a: {  	_ = 	snop  }
0x3b: {  	_ = 	snop  }
0x3c: {  	p2 =	seq.s32 s10, $0x1;
	s10 =	sld [smem:$0x3FB0]  }
0x3d: {  	_ =	shalt  }
0x3e: {  	_ =	shalt  }
0x3f: {  	_ =	shalt  }
0x40: {  	_ =	shalt  }
0x41: {  	_ =	shalt  }
0x42: {  	_ =	shalt  }
0x43: {  	_ =	shalt  }
0x44: {  	_ =	shalt  }
0x45: {  	_ =	shalt  }
0x46: {  	_ =	shalt  }
0x47: {  	_ =	shalt  }
0x48: {  	_ =	shalt  }
0x49: {  	_ =	shalt  }
0x4a: {  	_ =	shalt  }
0x4b: {  	_ =	shalt  }
0x4c: {  	_ =	shalt  }
0x4d: {  	_ =	shalt  }
0x4e: {  	_ =	shalt  }
0x4f: {  	_ =	shalt  }
0x50: {  	_ =	shalt  }
0x51: {  	_ =	shalt  }
0x52: {  	_ =	shalt  }
0x53: {  	_ =	shalt  }
0x54: {  	_ =	shalt  }
0x55: {  	_ =	shalt  }
0x56: {  	_ =	shalt  }
0x57: {  	_ =	shalt  }
0x58: {  	_ =	shalt  }
0x59: {  	_ =	shalt  }
0x5a: {  	_ =	shalt  }
0x5b: {  	_ =	shalt  }
0x5c: {  	_ =	shalt  }
0x5d: {  	_ =	shalt  }
0x5e: {  	_ =	shalt  }
0x5f: {  	_ =	shalt  }
0x60: {  	_ =	shalt  }
0x61: {  	_ =	shalt  }
0x62: {  	_ =	shalt  }
0x63: {  	_ =	shalt  }
0x64: {  	_ =	shalt  }
0x65: {  	_ =	shalt  }
0x66: {  	_ =	shalt  }
0x67: {  	_ =	shalt  }
0x68: {  	_ =	shalt  }
0x69: {  	_ =	shalt  }
0x6a: {  	_ =	shalt  }
0x6b: {  	_ =	shalt  }
0x6c: {  	_ =	shalt  }
0x6d: {  	_ =	shalt  }
0x6e: {  	_ =	shalt  }
0x6f: {  	_ =	shalt  }
0x70: {  	_ =	shalt  }
0x71: {  	_ =	shalt  }
0x72: {  	_ =	shalt  }
0x73: {  	_ =	shalt  }
0x74: {  	_ =	shalt  }
0x75: {  	_ =	shalt  }
0x76: {  	_ =	shalt  }
0x77: {  	_ =	shalt  }
0x78: {  	_ =	shalt  }
0x79: {  	_ =	shalt  }
0x7a: {  	_ =	shalt  }
0x7b: {  	_ =	shalt  }
0x7c: {  	_ =	shalt  }
0x7d: {  	_ =	shalt  }
0x7e: {  	_ =	shalt  }
0x7f: {  	_ =	shalt  }
0x80: {  	_ =	shalt  }
0x81: {  	_ =	shalt  }
0x82: {  	_ =	shalt  }
0x83: {  	_ =	shalt  }
0x84: {  	_ =	shalt  }
0x85: {  	_ =	shalt  }
0x86: {  	_ =	shalt  }
0x87: {  	_ =	shalt  }
.Lfunc_end0:
.L_simem_size_0:
called_computation.1_lowered:
.L_overlay_start_0:
0x88: {  	s2 =	sld [smem:$0x3FD9]  }
0x89: {  	s3 =	sld [smem:$0x3FFE];
	_ =	sdelay $0x1  }
0x8a: {  	s1 =	srdreg.scid  }
0x8b: {  	s0 =	sand.u32 $0x1, s1  }
0x8c: {  	s14 =	sshll.u32 s0, $0xA;
	s2 =	sadd.s32 s3, s2  }
0x8d: {  	s2 =	sadd.s32 s2, s14  }
0x8e: {  	[smem:$0x3FBC] =	sst s2  }
0x8f: {  	_ = 	snop  }
0x90: {  	s2 =	sld [smem:$0x3FD0];
	_ =	sdelay $0x2  }
0x91: {  	s4 =	simm.s32 $0xA;
	s5 =	simm.s32 $0x10;
	s15 =	sld [smem:$0x3FC6]  }
0x92: {  	[smem:s5], [sflag:s4] =	dma.local [hbm:s2], $0x1  }
0x93: {  	_ =	swait.eq [sflag:s4], $0x1  }
0x94: {  	s16 =	sld [smem:$0x10];
	[sflag:s4] =	ssyncset.done $0x0  }
0x95: {  	s17 =	sld [smem:$0x11];
	[sflag:s4] =	ssyncadd.s32 $0xFFFFFFFF  }
0x96: {  	s18 =	sld [smem:$0x12];
	(tm) =	ssettm $0x1  }
0x97: {  	s6 =	sld [smem:$0x3FFB];
	_ =	sdelay $0x3  }
0x98: {  	_ =	strace s6  }
0x99: {  	s6 =	sld [smem:$0x3FFC];
	_ =	sdelay $0x3  }
0x9a: {  	_ =	strace s6  }
0x9b: {  	s6 =	sld [smem:$0x3FFD];
	_ =	sdelay $0x3  }
0x9c: {  	_ =	strace s6  }
0x9d: {  	_ =	strace $0x8FFFFFFF  }
0x9e: {  	s19 =	sld [smem:$0x3FDB];
	_ =	sdelay $0x1  }
0x9f: {  	s7 =	simm.s32 $_scs_section_size  }
0xa0: {  	s8 =	simm.s32 $_size__tile_overlayer_lowered;
	s9 =	simm.s32 $_tile_overlayer_lowered  }
0xa1: {  	s22 =	simm.s32 $0x1BFF;
	s21 =	sshll.u32 s9, $0x1;
	s6 =	sadd.s32 s7, s19  }
0xa2: {  	s10 =	simm.s32 $0x0;
	s20 =	sshll.u32 s8, $0x1;
	s8 =	sadd.s32 s21, s6  }
0xa3: {  	[timem:s10], [sflag:s22] =	dma.local [hbm:s8], s20  }
0xa4: {  	_ =	swait.ge [sflag:s22], s20  }
0xa5: {  	s7 =	ssub.s32 $0x0, s20;
	[sflag:s22] =	ssyncset.done $0x0  }
0xa6: {  	[sflag:s22] =	ssyncadd.s32 s7;
	_ =	sdelay $0x1  }
0xa7: {  	s23 =	simm.s32 $0x1B8B  }
0xa8: {  	_ =	swait.ge [sflag:s23], $0x1  }
0xa9: {  	[sflag:s23] =	ssyncset.done $0x0  }
0xaa: {  	s25 =	simm.s32 $0x1B8E;
	s24 =	sld [smem:$0x3FFE];
	[sflag:s23] =	ssyncadd.s32 $0xFFFFFFFF  }
0xab: {  	s26 =	simm.s32 $execute0_lowered;
	[smem:$0x3FD2] =	sst s25  }
0xac: {  	s8 =	sshll.u32 s26, $0x1;
	_ =	strace $0x80000046;
	[dreg:$0x1] =	wrdreg $0xFFFFFFFF  }
0xad: {  	s28 =	simm.s32 $_size_execute0_lowered;
	s6 =	sadd.s32 s6, s8;
	[dreg:$0x0] =	wrdreg $0x0  }
0xae: {  	s8 =	sshll.u32 s28, $0x1;
	[dreg:$0x2] =	wrdreg s6  }
0xaf: {  	[dreg:$0x3] =	wrdreg s8  }
0xb0: {  	[dreg:$0x4] =	wrdreg $0xC0  }
0xb1: {  	_ =	task [dreg:s10], $0x5FFFF  }
0xb2: {  	[dreg:$0x1] =	wrdreg $0xFFFFFFFF  }
0xb3: {  	[dreg:$0x0] =	wrdreg $0x60  }
0xb4: {  	[dreg:$0x2] =	wrdreg s18  }
0xb5: {  	[dreg:$0x3] =	wrdreg s16  }
0xb6: {  	[dreg:$0x4] =	wrdreg s17  }
0xb7: {  	[dreg:$0x5] =	wrdreg s15  }
0xb8: {  	[dreg:$0x6] =	wrdreg s24  }
0xb9: {  	[dreg:$0x7] =	wrdreg $0x164000  }
0xba: {  	[dreg:$0x8] =	wrdreg $0xDC000  }
0xbb: {  	[dreg:$0x9] =	wrdreg $0x9  }
0xbc: {  	_ =	task.clear_ibuf [dreg:s10], $0xAFFFF;
	_ =	strace $0x90000046  }
0xbd: {  	s29 =	simm.s32 $0x9;
	_ =	strace $0x80000048  }
0xbe: {  	_ =	swait.ge [sflag:s29], $0x1  }
0xbf: {  	[sflag:s29] =	ssyncadd.s32 $0xFFFFFFFF  }
0xc0: {  	_ =	strace $0x90000048  }
0xc1: {  	_ =	sfence  }
0xc2: {  	s30 =	sld [smem:$0x0];
	_ =	sdelay $0x2  }
0xc3: {  	s31 =	sshll.u32 s1, $0xD;
	s1 =	sshrl.u32 s1, $0x2  }
0xc4: {  	s3 =	sand.u32 $0x4000, s31;
	s1 =	sadd.s32 s1, s30  }
0xc5: {  	s0 =	sor.u32 s3, s0;
	s1 =	sshll.u32 s1, $0x11  }
0xc6: {  	s0 =	sor.u32 s1, s0  }
0xc7: {  	s0 =	sadd.s32 $0x8F2B, s0  }
0xc8: {  	[sflag:s0] =	ssyncadd.remote.s32 $0x1  }
0xc9: {  	_ =	sfence.sel $0xFFFF  }
0xca: {  	[dreg:$0x0] =	wrdreg $0xFFFFFFFF;
	(pc) =	sbr.abs _section_cstart, $3  }
0xcb: {  	[dreg:$0x1] =	wrdreg $0xFFFFFFFF  }
0xcc: {  	_ =	task.clear_ibuf [dreg:s10], $0x2FFFF;
	_ =	strace $0x9FFFFFFF  }
0xcd: {  	(tm) =	ssettm $0x7FFFFFFF  }
tec
execute0_lowered:
.L_overlay_start_1:
0x0: {  	(tag) =	ssettag $0x1  }
0x1: {  	s0 =	rddreg [dreg:$0x0]  }
0x2: {  	s1 =	rddreg [dreg:$0x1]  }
0x3: {  	s2 =	rddreg [dreg:$0x2]  }
0x4: {  	s3 =	rddreg [dreg:$0x4]  }
0x5: {  	s17 =	rddreg [dreg:$0x5]  }
0x6: {  	s4 =	rddreg [dreg:$0x6];
	s6 =	srdreg.scid  }
0x7: {  	s5 =	simm.s32 $0x0;
	s12 =	stileid.u32;
	s29 =	simm.s32 $0x9400  }
0x8: {  	s30 =	simm.s32 $0x2;
	s31 =	simm.s32 $0xA400;
	s28 =	simm.s32 $0x8800  }
0x9: {  	s8 =	sand.u32 $0x1, s6;
	[smem:$0x7FF] =	sst s5;
	s11 =	sshll.u32 s12, $0x8  }
0xa: {  	s9 =	sshll.u32 s12, $0xF;
	s7 =	sadd.s32 $0x2400, s3;
	s0 =	sadd.s32 s0, s11  }
0xb: {  	_ =	strace $0x80000047;
	s1 =	sadd.s32 s1, s11;
	[dreg:$0x8] =	wrdreg s0  }
0xc: {  	s15 =	sshll.u32 s12, $0xC;
	s18 =	sadd.s32 s9, s17;
	[dreg:$0x9] =	wrdreg s1  }
0xd: {  	s13 =	sshll.u32 s12, $0xA;
	s0 =	sadd.s32 s2, s15;
	[dreg:$0xb] =	wrdreg s18  }
0xe: {  	s6 =	sshll.u32 s8, $0x13;
	s20 =	sadd.s32 $0x1000, s18;
	[dreg:$0xa] =	wrdreg s0  }
0xf: {  	s8 =	ssub.s32 $0x2, s8;
	s21 =	sadd.s32 $0x2000, s18;
	[dreg:$0xe] =	wrdreg s20  }
0x10: {  	s11 =	simm.s32 $0xAB80;
	s22 =	sadd.s32 $0x3000, s18;
	[dreg:$0xf] =	wrdreg s21  }
0x11: {  	s10 =	sor.u32 s9, s6;
	s23 =	sadd.s32 $0x4000, s18;
	[dreg:$0x10] =	wrdreg s22  }
0x12: {  	s14 =	sshrl.u32 s8, $0x1;
	s24 =	sadd.s32 $0x5000, s18;
	[dreg:$0x11] =	wrdreg s23  }
0x13: {  	s25 =	sadd.s32 $0x6000, s18;
	s26 =	sadd.s32 $0x7000, s18;
	[dreg:$0x12] =	wrdreg s24  }
0x14: {  	s1 =	simm.s32 $0x1;
	s9 =	simm.s32 $0x0;
	[dreg:$0x13] =	wrdreg s25  }
0x15: {  	s10 =	sshrl.u32 s10, $0x3;
	s8 =	ssub.s32 s8, s14;
	[dreg:$0x14] =	wrdreg s26  }
0x16: {  	s22 =	simm.s32 $0x800;
	s24 =	simm.s32 $0x9000;
	s25 =	simm.s32 $0xCC00  }
0x17: {  	s26 =	simm.s32 $0x9C00;
	s0 =	simm.s32 $0x80;
	s20 =	simm.s32 $0x7800  }
0x18: {  	s23 =	simm.s32 $0xAB00;
	s3 =	sadd.s32 s10, s3;
	s19 =	smax.u32 s8, $0x1  }
0x19: {  	v1 =	vimm.f32 $0.0e+00;
	v2 =	vlaneseq.u32;
	v3 =	vimm.f32 $1.000000000e+00;
	s21 =	simm.s32 $0x8000;
	s16 =	sadd.s32 $0x202400, s3;
	[dreg:$0xd] =	wrdreg s19  }
0x1a: {  	v4 =	vimm.s32 $0x0;
	v5 =	vor.u32 $0xFFFFFFF8, v2;
	v0 =	vmov s6;
	s10 =	simm.s32 $0x3;
	s3 =	simm.s32 $0xAC00;
	[dreg:$0xc] =	wrdreg s16  }
.LBB2_1:
0x1b: {  	[dreg:$0x15] =	wrdreg s9  }
0x1c: {  	s2 =	rddreg [dreg:$0x8]  }
0x1d: {  	[tilespmem:s5], [sflag:$0x3] =	stream.linear.gather [hbm4b:s2+s5], $0x800, $0x38;
	[tilespmem:$0x1E440] =	vst v63  }
0x1e: {  	s15 =	rddreg [dreg:$0x9]  }
0x1f: {  	[tilespmem:s22], [sflag:$0x3] =	stream.linear.gather [hbm4b:s15+s5], $0x800, $0x38;
	[tilespmem:$0x1E440] =	vst v63  }
0x20: {  	s16 =	rddreg [dreg:$0xa];
	s8 =	simm.s32 $0x1000  }
0x21: {  	[tilespmem:s8], [sflag:$0x3] =	stream.linear.gather [hbm4b:s16+s5], $0x8000, $0x38;
	[tilespmem:$0x1E440] =	vst v63  }
0x22: {  	s19 =	rddreg [dreg:$0x3];
	s2 =	simm.s32 $0x40;
	s8 =	simm.s32 $0x0  }
0x23: {  	[tilespmem:s24], [sflag:$0x3] =	stream.linear.gather [hbm4b:s19+s5], $0x400, $0x38;
	[tilespmem:$0x1E440] =	vst v63  }
.LBB2_2:
0x24: {  	p0 =	sne.s32 s2, $0x7FC0;
	[tilespmem:s8+$0xAC00] =	vst v1;
	s8 =	smov.u32 s2;
	s2 =	sadd.s32 $0x40, s2  }
.Ltmp0:
0x25: {  	(pc) =	sbr.rel @p0 .LBB2_2-.Ltmp0, $2  }
0x26: {  	_ =	sdelay $0x2  }
0x27: {  	s8 =	sshra.s32 s8, $0x2  }
0x28: {  	s2 =	simm.s32 $0x0  }
0x29: {  	[tilespmem:s8+$0xAC00] =	vst v1;
	s8 =	simm.s32 $0x10;
	v6 =	vor.u32 s2, v2  }
.LBB2_4:
0x2a: {  	p0 =	sne.s32 s8, $0xFF0  }
.Ltmp1:
0x2b: {  	_ = 	snop;
	(pc) =	sbr.rel @p0 .LBB2_4-.Ltmp1, $3  }
0x2c: {  	_ =	sdelay $0x1  }
0x2d: {  	[tilespmem:v6+s25+$0x0] =	vst.idx.msk $0xffff, v1;
	s9 =	smov.u32 s8;
	s8 =	sadd.s32 $0x10, s8  }
0x2e: {  	v6 =	vor.u32 s9, v2  }
0x2f: {  	_ =	sdelay $0x3  }
0x30: {  	[tilespmem:v6+s25+$0x0] =	vst.idx.msk $0xffff, v1;
	s8 =	simm.s32 $0x10;
	v6 =	vor.u32 s2, v2  }
.LBB2_6:
0x31: {  	p0 =	sne.s32 s8, $0x7F0  }
.Ltmp2:
0x32: {  	_ = 	snop;
	(pc) =	sbr.rel @p0 .LBB2_6-.Ltmp2, $3  }
0x33: {  	_ =	sdelay $0x1  }
0x34: {  	[tilespmem:v6+s26+$0x0] =	vst.idx.msk $0xffff, v3;
	s2 =	smov.u32 s8;
	s8 =	sadd.s32 $0x10, s8  }
0x35: {  	v6 =	vor.u32 s2, v2  }
0x36: {  	_ =	sdelay $0x3  }
0x37: {  	[tilespmem:v6+s26+$0x0] =	vst.idx.msk $0xffff, v3  }
0x38: {  	[spmem:s18] =	stream.linear.scatter [tilespmem:s25], [sflag:$0x2], $0x1000, $0x38;
	[tilespmem:$0x1E440] =	vst v63  }
0x39: {  	s2 =	rddreg [dreg:$0xe]  }
0x3a: {  	[spmem:s2] =	stream.linear.scatter [tilespmem:s25], [sflag:$0x2], $0x1000, $0x38;
	[tilespmem:$0x1E440] =	vst v63  }
0x3b: {  	s19 =	rddreg [dreg:$0xf]  }
0x3c: {  	[spmem:s19] =	stream.linear.scatter [tilespmem:s25], [sflag:$0x2], $0x1000, $0x38;
	[tilespmem:$0x1E440] =	vst v63  }
0x3d: {  	s8 =	rddreg [dreg:$0x10]  }
0x3e: {  	[spmem:s8] =	stream.linear.scatter [tilespmem:s25], [sflag:$0x2], $0x1000, $0x38;
	[tilespmem:$0x1E440] =	vst v63  }
0x3f: {  	s9 =	rddreg [dreg:$0x11]  }
0x40: {  	[spmem:s9] =	stream.linear.scatter [tilespmem:s25], [sflag:$0x2], $0x1000, $0x38;
	[tilespmem:$0x1E440] =	vst v63  }
0x41: {  	s12 =	rddreg [dreg:$0x12]  }
0x42: {  	[spmem:s12] =	stream.linear.scatter [tilespmem:s25], [sflag:$0x2], $0x1000, $0x38;
	[tilespmem:$0x1E440] =	vst v63  }
0x43: {  	s14 =	rddreg [dreg:$0x13]  }
0x44: {  	[spmem:s14] =	stream.linear.scatter [tilespmem:s25], [sflag:$0x2], $0x1000, $0x38;
	[tilespmem:$0x1E440] =	vst v63  }
0x45: {  	s15 =	rddreg [dreg:$0x14]  }
0x46: {  	[spmem:s15] =	stream.linear.scatter [tilespmem:s25], [sflag:$0x2], $0x1000, $0x38;
	[tilespmem:$0x1E440] =	vst v63  }
0x47: {  	_ =	swait.ge [sflag:s10], $0x800  }
0x48: {  	[sflag:s10] =	ssyncset.done $0x0  }
0x49: {  	[sflag:s10] =	ssyncadd.s32 $0xFFFFF800  }
0x4a: {  	_ =	swait.ge [sflag:s10], $0x800  }
0x4b: {  	[sflag:s10] =	ssyncset.done $0x0  }
0x4c: {  	[sflag:s10] =	ssyncadd.s32 $0xFFFFF800  }
0x4d: {  	s16 =	simm.s32 $0x0;
	_ =	swait.ge [sflag:s10], $0x8000  }
0x4e: {  	v6 =	vor.u32 s16, v2;
	[sflag:s10] =	ssyncset.done $0x0  }
0x4f: {  	[sflag:s10] =	ssyncadd.s32 $0xFFFF8000  }
0x50: {  	_ =	swait.ge [sflag:s10], $0x400  }
0x51: {  	[sflag:s10] =	ssyncset.done $0x0  }
0x52: {  	[sflag:s10] =	ssyncadd.s32 $0xFFFFFC00  }
0x53: {  	s19 =	simm.s32 $0x10;
	v6 =	vld.idx.msk [tilespmem:v6+s24+$0x0], $0xffff  }
0x54: {  	v7 =	vor.u32 s19, v2;
	_ =	sdelay $0x3  }
0x55: {  	v8 =	vimm.s32 $0x0;
	v9 =	vimm.s32 $0x0;
	vm1 =	vlt.s32 v6, $0x1  }
0x56: {  	s2 =	simm.s32 $0x20;
	v7 =	vld.idx.msk [tilespmem:v7+s24+$0x0], $0xffff;
	vm0 =	vlt.s32 v6, $0x2;
	vm2 =	vlt.s32 v6, $0x3;
	v6 =	vimm.s32 $0x0  }
.LBB2_8:
0x57: {  	v10 =	vor.u32 s2, v2;
	p0 =	sne.s32 s2, $0x3F0;
	s2 =	sadd.s32 $0x10, s2;
	v11 =	vsel vm1, $0x1, v4;
	v12 =	vsel vm2, $0x1, v4  }
.Ltmp3:
0x58: {  	v8 =	vadd.s32 v11, v8;
	v11 =	vsel vm0, $0x1, v4;
	v6 =	vadd.s32 v12, v6;
	(pc) =	sbr.rel @p0 .LBB2_8-.Ltmp3, $2  }
0x59: {  	v9 =	vadd.s32 v11, v9;
	_ =	sdelay $0x2  }
0x5a: {  	vm1 =	vlt.s32 v7, $0x1;
	vm0 =	vlt.s32 v7, $0x2;
	vm2 =	vlt.s32 v7, $0x3;
	v7 =	vld.idx.msk [tilespmem:v10+s24+$0x0], $0xffff  }
0x5b: {  	_ =	sdelay $0x2  }
0x5c: {  	v10 =	vsel vm1, $0x1, v4;
	v11 =	vsel vm2, $0x1, v4  }
0x5d: {  	v8 =	vadd.s32 v10, v8;
	v10 =	vsel vm0, $0x1, v4;
	vm0 =	vlt.s32 v7, $0x1  }
0x5e: {  	v9 =	vadd.s32 v10, v9;
	vm1 =	vlt.s32 v7, $0x2;
	v10 =	vsel vm0, $0x1, v4  }
0x5f: {  	vm0 =	vlt.s32 v7, $0x3;
	v7 =	vadd.s32 v10, v8;
	v8 =	vsel vm1, $0x1, v4  }
0x60: {  	s2 =	simm.s32 $0x0;
	v6 =	vadd.s32 v11, v6;
	v10 =	vsel vm0, $0x1, v4;
	v8 =	vadd.s32 v8, v9;
	(xrf0) =	vadd.scan.msk.s32 $0xffff, v7  }
0x61: {  	v6 =	vadd.s32 v10, v6;
	v9 =	vor.u32 s2, v2;
	(xrf0) =	vadd.scan.msk.s32 $0xffff, v8  }
0x62: {  	(xrf0) =	vadd.scan.msk.s32 $0xffff, v6;
	_ =	sdelay $0x3  }
0x63: {  	v10 =	vld.idx.msk [tilespmem:v9+s5+$0x0], $0xffff;
	v6, _, _ =	vpop (xrf0)  }
0x64: {  	v12 =	vld.idx.msk [tilespmem:v9+s22+$0x0], $0xffff;
	v8, _, _ =	vpop (xrf0)  }
0x65: {  	v7 =	vbroadcast v6, $0xF;
	v11, _, _ =	vpop (xrf0)  }
0x66: {  	v8 =	vbroadcast v8, $0xF;
	v6 =	vbroadcast v11, $0xF;
	_ =	sdelay $0x1  }
0x67: {  	vm0 =	vge.s32 v10, v7;
	vm1 =	vge.s32 v10, v8;
	vm2 =	vge.s32 v10, v6  }
0x68: {  	v11 =	vsel vm0, $0x1, v4;
	v13 =	vsel vm1, $0x1, v4;
	vm0 =	vge.s32 v12, v7  }
0x69: {  	vm1 =	vge.s32 v12, v8;
	v14 =	vsel vm2, $0x1, v4;
	v11 =	vadd.s32 v13, v11  }
0x6a: {  	v13 =	vsel vm0, $0x1, v4;
	v11 =	vadd.s32 v14, v11;
	v14 =	vsel vm1, $0x1, v4  }
0x6b: {  	vm2 =	vge.s32 v12, v6;
	v13 =	vadd.s32 v14, v13  }
0x6c: {  	vm0 =	veq.s32 v11, $0x1;
	vm1 =	veq.s32 v11, $0x3;
	vm3 =	veq.s32 v11, $0x2  }
0x6d: {  	v14 =	vsel vm2, $0x1, v4;
	v15 =	vnsel vm0, $0x0, v7;
	v16 =	vnsel vm3, $0x0, v8  }
0x6e: {  	v13 =	vadd.s32 v14, v13;
	v14 =	vnsel vm1, $0x0, v6;
	v15 =	vadd.s32 v15, v16  }
0x6f: {  	vm0 =	veq.s32 v13, $0x1;
	vm1 =	veq.s32 v13, $0x2;
	vm2 =	veq.s32 v13, $0x3  }
0x70: {  	v63 =	vnsel vm0, $0x0, v7;
	v17 =	vnsel vm1, $0x0, v8;
	v18 =	vnsel vm2, $0x0, v6  }
0x71: {  	v14 =	vadd.s32 v14, v15;
	vm0 =	veq.s32 v11, v13;
	v15 =	vadd.s32 v63, v17  }
0x72: {  	v11 =	vshll.u32 v11, $0x12;
	v13 =	vsub.s32 v10, v14;
	v10 =	vadd.s32 v18, v15  }
0x73: {  	s8 =	simm.s32 $0x10;
	s2 =	simm.s32 $0x20;
	vm1 =	vlt.s32 v13, $0x200;
	v10 =	vsub.s32 v12, v10;
	v12 =	vshll.u32 v13, $0x9  }
.LBB2_10:
0x74: {  	p0 =	sne.s32 s2, $0x7F0;
	v13 =	vor.u32 s8, v2;
	vm2 =	vlt.s32 v10, $0x200;
	v11 =	vadd.s32 v11, v12;
	s8 =	smov.u32 s2;
	s2 =	sadd.s32 $0x10, s2  }
0x75: {  	vm1 =	vmand vm1, vm2;
	v10 =	vadd.s32 v10, v11  }
0x76: {  	vm0 =	vmand vm1, vm0  }
0x77: {  	v10 =	vnsel vm0, $0x40000000, v10  }
0x78: {  	[tilespmem:v9+s29+$0x0] =	vst.idx.msk $0xffff, v10;
	v9 =	vmov v13  }
0x79: {  	v10 =	vld.idx.msk [tilespmem:v13+s5+$0x0], $0xffff  }
0x7a: {  	v12 =	vld.idx.msk [tilespmem:v13+s22+$0x0], $0xffff;
	_ =	sdelay $0x4  }
0x7b: {  	vm0 =	vge.s32 v10, v7;
	vm1 =	vge.s32 v10, v8;
	vm2 =	vge.s32 v10, v6  }
0x7c: {  	v11 =	vsel vm0, $0x1, v4;
	v13 =	vsel vm1, $0x1, v4;
	v14 =	vsel vm2, $0x1, v4  }
0x7d: {  	vm0 =	vge.s32 v12, v7;
	vm1 =	vge.s32 v12, v8;
	v11 =	vadd.s32 v13, v11  }
0x7e: {  	v13 =	vsel vm0, $0x1, v4;
	v11 =	vadd.s32 v14, v11;
	v14 =	vsel vm1, $0x1, v4  }
0x7f: {  	v13 =	vadd.s32 v14, v13;
	vm0 =	veq.s32 v11, $0x1;
	vm1 =	veq.s32 v11, $0x3  }
0x80: {  	vm2 =	vge.s32 v12, v6;
	vm3 =	veq.s32 v11, $0x2  }
0x81: {  	v14 =	vsel vm2, $0x1, v4;
	v15 =	vnsel vm0, $0x0, v7;
	v16 =	vnsel vm3, $0x0, v8  }
0x82: {  	v13 =	vadd.s32 v14, v13;
	v14 =	vnsel vm1, $0x0, v6;
	v15 =	vadd.s32 v15, v16  }
.Ltmp4:
0x83: {  	vm0 =	veq.s32 v13, $0x1;
	vm1 =	veq.s32 v13, $0x2;
	vm2 =	veq.s32 v13, $0x3;
	(pc) =	sbr.rel @p0 .LBB2_10-.Ltmp4, $4  }
0x84: {  	v16 =	vnsel vm0, $0x0, v7;
	v17 =	vnsel vm1, $0x0, v8;
	v18 =	vnsel vm2, $0x0, v6  }
0x85: {  	v14 =	vadd.s32 v14, v15;
	vm0 =	veq.s32 v11, v13;
	v15 =	vadd.s32 v16, v17  }
0x86: {  	v11 =	vshll.u32 v11, $0x12;
	v13 =	vsub.s32 v10, v14;
	v10 =	vadd.s32 v18, v15  }
0x87: {  	vm1 =	vlt.s32 v13, $0x200;
	v10 =	vsub.s32 v12, v10;
	v12 =	vshll.u32 v13, $0x9  }
0x88: {  	v13 =	vor.u32 s8, v2;
	vm2 =	vlt.s32 v10, $0x200  }
0x89: {  	v11 =	vadd.s32 v11, v12;
	vm1 =	vmand vm1, vm2  }
0x8a: {  	v54 =	vadd.s32 v10, v11;
	vm0 =	vmand vm1, vm0  }
0x8b: {  	v10 =	vnsel vm0, $0x40000000, v54  }
0x8c: {  	[tilespmem:v9+s29+$0x0] =	vst.idx.msk $0xffff, v10  }
0x8d: {  	v9 =	vld.idx.msk [tilespmem:v13+s5+$0x0], $0xffff  }
0x8e: {  	v10 =	vld.idx.msk [tilespmem:v13+s22+$0x0], $0xffff;
	_ =	sdelay $0x3  }
0x8f: {  	vm14 =	vge.s32 v9, v7;
	vm15 =	vge.s32 v9, v8;
	vm4 =	vge.s32 v9, v6  }
0x90: {  	vm5 =	vge.s32 v10, v7;
	vm6 =	vge.s32 v10, v8;
	vm8 =	vge.s32 v10, v6  }
0x91: {  	v55 =	vsel vm14, $0x1, v4;
	v56 =	vsel vm15, $0x1, v4;
	v14 =	vsel vm4, $0x1, v4  }
0x92: {  	v57 =	vsel vm5, $0x1, v4;
	v58 =	vsel vm6, $0x1, v4;
	v11 =	vadd.s32 v56, v55  }
0x93: {  	v59 =	vsel vm8, $0x1, v4;
	v12 =	vadd.s32 v58, v57;
	v11 =	vadd.s32 v14, v11  }
0x94: {  	v12 =	vadd.s32 v59, v12;
	vm7 =	veq.s32 v11, $0x1;
	vm9 =	veq.s32 v11, $0x3  }
0x95: {  	vm3 =	veq.s32 v11, $0x2;
	vm10 =	veq.s32 v12, $0x1;
	vm11 =	veq.s32 v12, $0x2  }
0x96: {  	vm12 =	veq.s32 v12, $0x3;
	v15 =	vnsel vm7, $0x0, v7;
	v16 =	vnsel vm3, $0x0, v8  }
0x97: {  	v60 =	vnsel vm9, $0x0, v6;
	v7 =	vnsel vm10, $0x0, v7;
	v61 =	vnsel vm11, $0x0, v8  }
0x98: {  	v6 =	vnsel vm12, $0x0, v6;
	v15 =	vadd.s32 v15, v16;
	v7 =	vadd.s32 v7, v61  }
0x99: {  	v62 =	vadd.s32 v60, v15;
	v6 =	vadd.s32 v6, v7  }
0x9a: {  	v63 =	vshll.u32 v11, $0x12;
	v7 =	vsub.s32 v9, v62;
	v6 =	vsub.s32 v10, v6  }
0x9b: {  	vm13 =	vlt.s32 v7, $0x200;
	v7 =	vshll.u32 v7, $0x9;
	vm14 =	vlt.s32 v6, $0x200  }
0x9c: {  	vm15 =	veq.s32 v11, v12;
	v7 =	vadd.s32 v63, v7;
	vm0 =	vmand vm13, vm14  }
0x9d: {  	v6 =	vadd.s32 v6, v7;
	vm0 =	vmand vm0, vm15  }
0x9e: {  	v6 =	vnsel vm0, $0x40000000, v6  }
0x9f: {  	[tilespmem:v13+s29+$0x0] =	vst.idx.msk $0xffff, v6  }
0xa0: {  	_ =	swait.ge [sflag:s30], $0x1000  }
0xa1: {  	[sflag:s30] =	ssyncset.done $0x0  }
0xa2: {  	[sflag:s30] =	ssyncadd.s32 $0xFFFFF000  }
0xa3: {  	_ =	swait.ge [sflag:s30], $0x1000  }
0xa4: {  	[sflag:s30] =	ssyncset.done $0x0  }
0xa5: {  	[sflag:s30] =	ssyncadd.s32 $0xFFFFF000  }
0xa6: {  	_ =	swait.ge [sflag:s30], $0x1000  }
0xa7: {  	[sflag:s30] =	ssyncset.done $0x0  }
0xa8: {  	[sflag:s30] =	ssyncadd.s32 $0xFFFFF000  }
0xa9: {  	_ =	swait.ge [sflag:s30], $0x1000  }
0xaa: {  	[sflag:s30] =	ssyncset.done $0x0  }
0xab: {  	[sflag:s30] =	ssyncadd.s32 $0xFFFFF000  }
0xac: {  	_ =	swait.ge [sflag:s30], $0x1000  }
0xad: {  	[sflag:s30] =	ssyncset.done $0x0  }
0xae: {  	[sflag:s30] =	ssyncadd.s32 $0xFFFFF000  }
0xaf: {  	_ =	swait.ge [sflag:s30], $0x1000  }
0xb0: {  	[sflag:s30] =	ssyncset.done $0x0  }
0xb1: {  	[sflag:s30] =	ssyncadd.s32 $0xFFFFF000  }
0xb2: {  	_ =	swait.ge [sflag:s30], $0x1000  }
0xb3: {  	[sflag:s30] =	ssyncset.done $0x0  }
0xb4: {  	[sflag:s30] =	ssyncadd.s32 $0xFFFFF000  }
0xb5: {  	_ =	swait.ge [sflag:s30], $0x1000  }
0xb6: {  	[sflag:s30] =	ssyncset.done $0x0  }
0xb7: {  	s2 =	simm.s32 $0x0;
	[sflag:s30] =	ssyncadd.s32 $0xFFFFF000  }
0xb8: {  	s8 =	simm.s32 $0x0;
	s9 =	simm.s32 $0x0;
	[bflag:$0x0] =	sbarrier.arrive $0xFFFF  }
.LBB2_12:
0xb9: {  	s10 =	sadd.s32 $0x0, s8  }
0xba: {  	v6 =	vor.u32 s10, v2  }
0xbb: {  	v7 =	vand.u32 v5, v6;
	_ =	sdelay $0x4  }
0xbc: {  	v7 =	vld.idx.msk [tilespmem:v7+s29+$0x0], $0xffff  }
0xbd: {  	s12 =	simm.s32 $0x10;
	s10 =	sshll.u32 s9, $0x7  }
0xbe: {  	s15 =	sadd.s32 $0x10, s8;
	s14 =	simm.s32 $0x20;
	s16 =	sor.u32 s10, s2  }
.LBB2_13:
0xbf: {  	p0 =	sne.s32 s14, $0x70;
	v8 =	vor.u32 s15, v2;
	v9 =	vor.u32 s16, v2;
	s16 =	smov.u32 s12;
	s12 =	smov.u32 s14  }
0xc0: {  	v10 =	vand.u32 v5, v8  }
0xc1: {  	v11 =	vand.u32 $0x3FF, v6;
	v7 =	vsub.s32 v7, v0;
	v6 =	vmov v8  }
0xc2: {  	v8 =	vor.u32 $0x80000, v11;
	vm0 =	vlt.u32 v7, $0x80000  }
0xc3: {  	v7 =	vsel vm0, v7, v8  }
.Ltmp5:
0xc4: {  	[tilespmem:v9+s31+$0x0] =	vst.idx.msk $0xffff, v7;
	(pc) =	sbr.rel @p0 .LBB2_13-.Ltmp5, $2  }
0xc5: {  	v7 =	vld.idx.msk [tilespmem:v10+s29+$0x0], $0xffff;
	_ =	sdelay $0x2  }
0xc6: {  	s14 =	sadd.s32 $0x10, s14;
	s15 =	sadd.s32 s12, s8;
	s16 =	sor.u32 s10, s16  }
0xc7: {  	v8 =	vor.u32 s15, v2;
	v9 =	vor.u32 s16, v2  }
0xc8: {  	v10 =	vand.u32 v5, v8  }
0xc9: {  	v6 =	vand.u32 $0x3FF, v6;
	v7 =	vsub.s32 v7, v0  }
0xca: {  	v6 =	vor.u32 $0x80000, v6;
	vm0 =	vlt.u32 v7, $0x80000  }
0xcb: {  	v6 =	vsel vm0, v7, v6  }
0xcc: {  	[tilespmem:v9+s31+$0x0] =	vst.idx.msk $0xffff, v6  }
0xcd: {  	v6 =	vld.idx.msk [tilespmem:v10+s29+$0x0], $0xffff;
	_ =	sdelay $0x1  }
0xce: {  	s12 =	sor.u32 s10, s12  }
0xcf: {  	s9 =	sadd.s32 $0x1, s9;
	v7 =	vor.u32 s12, v2  }
0xd0: {  	p0 =	sne.s32 s9, $0x10  }
.Ltmp6:
0xd1: {  	v8 =	vand.u32 $0x3FF, v8;
	v6 =	vsub.s32 v6, v0;
	(pc) =	sbr.rel @p0 .LBB2_12-.Ltmp6, $4  }
0xd2: {  	v8 =	vor.u32 $0x80000, v8;
	vm15 =	vlt.u32 v6, $0x80000  }
0xd3: {  	v6 =	vsel vm15, v6, v8  }
0xd4: {  	s16 =	sadd.s32 $0x9C00, s10;
	s19 =	sadd.s32 $0xA400, s10;
	s8 =	sadd.s32 $0x80, s8;
	[tilespmem:v7+s31+$0x0] =	vst.idx.msk $0xffff, v6  }
0xd5: {  	[spmem:s17] =	stream.indirect.scatter.add.f32 [tilespmem:s16], [sflag:$0x1], $0x1, s19, s0, $0xb8;
	[tilespmem:$0x1E440] =	vst v63  }
0xd6: {  	_ =	swait.ge [sflag:s1], $0x80  }
0xd7: {  	[sflag:s1] =	ssyncset.done $0x0  }
0xd8: {  	[sflag:s1] =	ssyncadd.s32 $0xFFFFFF80  }
0xd9: {  	_ =	swait.ge [sflag:s1], $0x80  }
0xda: {  	[sflag:s1] =	ssyncset.done $0x0  }
0xdb: {  	[sflag:s1] =	ssyncadd.s32 $0xFFFFFF80  }
0xdc: {  	_ =	swait.ge [sflag:s1], $0x80  }
0xdd: {  	[sflag:s1] =	ssyncset.done $0x0  }
0xde: {  	[sflag:s1] =	ssyncadd.s32 $0xFFFFFF80  }
0xdf: {  	_ =	swait.ge [sflag:s1], $0x80  }
0xe0: {  	[sflag:s1] =	ssyncset.done $0x0  }
0xe1: {  	[sflag:s1] =	ssyncadd.s32 $0xFFFFFF80  }
0xe2: {  	_ =	swait.ge [sflag:s1], $0x80  }
0xe3: {  	[sflag:s1] =	ssyncset.done $0x0  }
0xe4: {  	[sflag:s1] =	ssyncadd.s32 $0xFFFFFF80  }
0xe5: {  	_ =	swait.ge [sflag:s1], $0x80  }
0xe6: {  	[sflag:s1] =	ssyncset.done $0x0  }
0xe7: {  	[sflag:s1] =	ssyncadd.s32 $0xFFFFFF80  }
0xe8: {  	_ =	swait.ge [sflag:s1], $0x80  }
0xe9: {  	[sflag:s1] =	ssyncset.done $0x0  }
0xea: {  	[sflag:s1] =	ssyncadd.s32 $0xFFFFFF80  }
0xeb: {  	_ =	swait.ge [sflag:s1], $0x80  }
0xec: {  	[sflag:s1] =	ssyncset.done $0x0  }
0xed: {  	[sflag:s1] =	ssyncadd.s32 $0xFFFFFF80  }
0xee: {  	_ =	swait.ge [sflag:s1], $0x80  }
0xef: {  	[sflag:s1] =	ssyncset.done $0x0  }
0xf0: {  	[sflag:s1] =	ssyncadd.s32 $0xFFFFFF80  }
0xf1: {  	_ =	swait.ge [sflag:s1], $0x80  }
0xf2: {  	[sflag:s1] =	ssyncset.done $0x0  }
0xf3: {  	[sflag:s1] =	ssyncadd.s32 $0xFFFFFF80  }
0xf4: {  	_ =	swait.ge [sflag:s1], $0x80  }
0xf5: {  	[sflag:s1] =	ssyncset.done $0x0  }
0xf6: {  	[sflag:s1] =	ssyncadd.s32 $0xFFFFFF80  }
0xf7: {  	_ =	swait.ge [sflag:s1], $0x80  }
0xf8: {  	[sflag:s1] =	ssyncset.done $0x0  }
0xf9: {  	[sflag:s1] =	ssyncadd.s32 $0xFFFFFF80  }
0xfa: {  	_ =	swait.ge [sflag:s1], $0x80  }
0xfb: {  	[sflag:s1] =	ssyncset.done $0x0  }
0xfc: {  	[sflag:s1] =	ssyncadd.s32 $0xFFFFFF80  }
0xfd: {  	_ =	swait.ge [sflag:s1], $0x80  }
0xfe: {  	[sflag:s1] =	ssyncset.done $0x0  }
0xff: {  	[sflag:s1] =	ssyncadd.s32 $0xFFFFFF80  }
0x100: {  	_ =	swait.ge [sflag:s1], $0x80  }
0x101: {  	[sflag:s1] =	ssyncset.done $0x0  }
0x102: {  	[sflag:s1] =	ssyncadd.s32 $0xFFFFFF80  }
0x103: {  	_ =	swait.ge [sflag:s1], $0x80  }
0x104: {  	[sflag:s1] =	ssyncset.done $0x0  }
0x105: {  	s2 =	stileid.u32;
	[sflag:s1] =	ssyncadd.s32 $0xFFFFFF80  }
0x106: {  	s2 =	sshll.u32 s2, $0x6;
	[bflag:$0x0] =	sbarrier.arrive $0xFFFF  }
0x107: {  	s9 =	sshrl.u32 s18, $0x3;
	s8 =	sor.u32 $0x1C04, s2;
	s10 =	rddreg [dreg:$0xc]  }
0x108: {  	[hbm:s10], [sflag:s8] =	dma.local [spmem:s9], $0x1000  }
0x109: {  	s8 =	simm.s32 $0x0  }
.LBB2_16:
0x10a: {  	s9 =	sand.u32 $0x1, s8  }
0x10b: {  	s12 =	simm.s32 $0x4400;
	p1 =	slt.u32 s8, $0x2;
	p0 =	seq.s32 s9, $0x1  }
0x10c: {  	s9 =	simm.s32 @!p1 $0x3;
	s12 =	simm.s32 @!p0 $0x0  }
0x10d: {  	_ =	swait.ge @!p1 [sflag:s9], $0x800;
	s10 =	sadd.s32 s13, s12  }
0x10e: {  	[sflag:s9] =	ssyncset.done @!p1 $0x0;
	s10 =	sshll.u32 s10, $0x4  }
0x10f: {  	s19 =	sshll.u32 s8, $0xE;
	[sflag:s9] =	ssyncadd.s32 @!p1 $0xFFFFF800;
	s9 =	sadd.s32 s10, s4  }
0x110: {  	[spmem:s9] =	stream.linear.scatter [tilespmem:s3], [sflag:$0x2], $0x2000, $0x38;
	[tilespmem:$0x1E440] =	vst v63  }
0x111: {  	s10 =	sadd.s32 s6, s19;
	s14 =	sadd.s32 $0x2000, s9  }
0x112: {  	[spmem:s14] =	stream.linear.scatter [tilespmem:s3], [sflag:$0x2], $0x2000, $0x38;
	[tilespmem:$0x1E440] =	vst v63  }
0x113: {  	v7 =	vmov s12;
	s12 =	simm.s32 $0x0;
	v6 =	vmov s10;
	s14 =	simm.s32 $0x0  }
.LBB2_17:
0x114: {  	s15 =	sadd.s32 $0x0, s12  }
0x115: {  	v8 =	vor.u32 s15, v2  }
0x116: {  	v9 =	vand.u32 v5, v8;
	_ =	sdelay $0x4  }
0x117: {  	v9 =	vld.idx.msk [tilespmem:v9+s29+$0x0], $0xffff;
	_ =	sdelay $0x1  }
0x118: {  	s19 =	simm.s32 $0x0;
	s16 =	simm.s32 $0x10;
	s15 =	sshll.u32 s14, $0x7  }
0x119: {  	s18 =	sadd.s32 $0x10, s12;
	s17 =	simm.s32 $0x20;
	s19 =	sor.u32 s15, s19  }
.LBB2_18:
0x11a: {  	p0 =	sne.s32 s17, $0x70;
	v10 =	vor.u32 s18, v2;
	v11 =	vor.u32 s19, v2;
	s19 =	smov.u32 s16;
	s16 =	smov.u32 s17  }
0x11b: {  	v9 =	vsub.s32 v9, v6;
	v13 =	vand.u32 $0x3FF, v8;
	v12 =	vand.u32 v5, v10;
	v8 =	vmovc v10  }
0x11c: {  	vm0 =	vlt.u32 v9, $0x4000;
	v10 =	vor.u32 $0x4000, v13  }
0x11d: {  	v9 =	vsel vm0, v9, v10  }
0x11e: {  	v9 =	vadd.s32 v7, v9  }
0x11f: {  	[tilespmem:v11+s31+$0x0] =	vst.idx.msk $0xffff, v9  }
.Ltmp7:
0x120: {  	v9 =	vld.idx.msk [tilespmem:v12+s29+$0x0], $0xffff;
	(pc) =	sbr.rel @p0 .LBB2_18-.Ltmp7, $2  }
0x121: {  	_ =	sdelay $0x2  }
0x122: {  	s17 =	sadd.s32 $0x10, s17;
	s18 =	sadd.s32 s16, s12;
	s19 =	sor.u32 s15, s19  }
0x123: {  	v10 =	vor.u32 s18, v2;
	v11 =	vor.u32 s19, v2  }
0x124: {  	v9 =	vsub.s32 v9, v6;
	v8 =	vand.u32 $0x3FF, v8;
	v12 =	vand.u32 v5, v10  }
0x125: {  	vm0 =	vlt.u32 v9, $0x4000;
	v8 =	vor.u32 $0x4000, v8  }
0x126: {  	v8 =	vsel vm0, v9, v8  }
0x127: {  	v8 =	vadd.s32 v7, v8  }
0x128: {  	[tilespmem:v11+s31+$0x0] =	vst.idx.msk $0xffff, v8  }
0x129: {  	v8 =	vld.idx.msk [tilespmem:v12+s29+$0x0], $0xffff;
	_ =	sdelay $0x2  }
0x12a: {  	s15 =	sor.u32 s15, s16;
	s14 =	sadd.s32 $0x1, s14  }
0x12b: {  	v63 =	vor.u32 s15, v2;
	p0 =	sne.s32 s14, $0x10  }
.Ltmp8:
0x12c: {  	v10 =	vand.u32 $0x3FF, v10;
	v8 =	vsub.s32 v8, v6;
	(pc) =	sbr.rel @p0 .LBB2_17-.Ltmp8, $4  }
0x12d: {  	v10 =	vor.u32 $0x4000, v10;
	vm15 =	vlt.u32 v8, $0x4000  }
0x12e: {  	v8 =	vsel vm15, v8, v10  }
0x12f: {  	v8 =	vadd.s32 v7, v8  }
0x130: {  	s12 =	sadd.s32 $0x80, s12;
	[tilespmem:v63+s31+$0x0] =	vst.idx.msk $0xffff, v8  }
0x131: {  	_ =	swait.ge [sflag:s30], $0x2000  }
0x132: {  	[sflag:s30] =	ssyncset.done $0x0  }
0x133: {  	[sflag:s30] =	ssyncadd.s32 $0xFFFFE000  }
0x134: {  	_ =	swait.ge [sflag:s30], $0x2000  }
0x135: {  	[sflag:s30] =	ssyncset.done $0x0  }
0x136: {  	[sflag:s30] =	ssyncadd.s32 $0xFFFFE000  }
0x137: {  	s12 =	simm.s32 $0x1000;
	[bflag:$0x0] =	sbarrier.arrive $0xFFFF  }
0x138: {  	[spmem:s4] =	stream.indirect.scatter.add.f32 [tilespmem:s12], [sflag:$0x1], $0x10, s31, s0, $0xb8;
	[tilespmem:$0x1E440] =	vst v63  }
0x139: {  	s19 =	simm.s32 $0xA480;
	s14 =	simm.s32 $0x1800  }
0x13a: {  	[spmem:s4] =	stream.indirect.scatter.add.f32 [tilespmem:s14], [sflag:$0x1], $0x10, s19, s0, $0xb8;
	[tilespmem:$0x1E440] =	vst v63  }
0x13b: {  	s15 =	simm.s32 $0x2000;
	s14 =	simm.s32 $0xA500  }
0x13c: {  	[spmem:s4] =	stream.indirect.scatter.add.f32 [tilespmem:s15], [sflag:$0x1], $0x10, s14, s0, $0xb8;
	[tilespmem:$0x1E440] =	vst v63  }
0x13d: {  	s16 =	simm.s32 $0xA580;
	s17 =	simm.s32 $0x2800  }
0x13e: {  	[spmem:s4] =	stream.indirect.scatter.add.f32 [tilespmem:s17], [sflag:$0x1], $0x10, s16, s0, $0xb8;
	[tilespmem:$0x1E440] =	vst v63  }
0x13f: {  	s18 =	simm.s32 $0xA600;
	s19 =	simm.s32 $0x3000  }
0x140: {  	[spmem:s4] =	stream.indirect.scatter.add.f32 [tilespmem:s19], [sflag:$0x1], $0x10, s18, s0, $0xb8;
	[tilespmem:$0x1E440] =	vst v63  }
0x141: {  	s14 =	simm.s32 $0xA680;
	s15 =	simm.s32 $0x3800  }
0x142: {  	[spmem:s4] =	stream.indirect.scatter.add.f32 [tilespmem:s15], [sflag:$0x1], $0x10, s14, s0, $0xb8;
	[tilespmem:$0x1E440] =	vst v63  }
0x143: {  	s16 =	simm.s32 $0xA700;
	s17 =	simm.s32 $0x4000  }
0x144: {  	[spmem:s4] =	stream.indirect.scatter.add.f32 [tilespmem:s17], [sflag:$0x1], $0x10, s16, s0, $0xb8;
	[tilespmem:$0x1E440] =	vst v63  }
0x145: {  	s18 =	simm.s32 $0xA780;
	s19 =	simm.s32 $0x4800  }
0x146: {  	[spmem:s4] =	stream.indirect.scatter.add.f32 [tilespmem:s19], [sflag:$0x1], $0x10, s18, s0, $0xb8;
	[tilespmem:$0x1E440] =	vst v63  }
0x147: {  	s14 =	simm.s32 $0xA800;
	s15 =	simm.s32 $0x5000  }
0x148: {  	[spmem:s4] =	stream.indirect.scatter.add.f32 [tilespmem:s15], [sflag:$0x1], $0x10, s14, s0, $0xb8;
	[tilespmem:$0x1E440] =	vst v63  }
0x149: {  	s16 =	simm.s32 $0xA880;
	s17 =	simm.s32 $0x5800  }
0x14a: {  	[spmem:s4] =	stream.indirect.scatter.add.f32 [tilespmem:s17], [sflag:$0x1], $0x10, s16, s0, $0xb8;
	[tilespmem:$0x1E440] =	vst v63  }
0x14b: {  	s18 =	simm.s32 $0xA900;
	s19 =	simm.s32 $0x6000  }
0x14c: {  	[spmem:s4] =	stream.indirect.scatter.add.f32 [tilespmem:s19], [sflag:$0x1], $0x10, s18, s0, $0xb8;
	[tilespmem:$0x1E440] =	vst v63  }
0x14d: {  	s14 =	simm.s32 $0xA980;
	s15 =	simm.s32 $0x6800  }
0x14e: {  	[spmem:s4] =	stream.indirect.scatter.add.f32 [tilespmem:s15], [sflag:$0x1], $0x10, s14, s0, $0xb8;
	[tilespmem:$0x1E440] =	vst v63  }
0x14f: {  	s16 =	simm.s32 $0xAA00;
	s17 =	simm.s32 $0x7000  }
0x150: {  	[spmem:s4] =	stream.indirect.scatter.add.f32 [tilespmem:s17], [sflag:$0x1], $0x10, s16, s0, $0xb8;
	[tilespmem:$0x1E440] =	vst v63  }
0x151: {  	s18 =	simm.s32 $0xAA80  }
0x152: {  	[spmem:s4] =	stream.indirect.scatter.add.f32 [tilespmem:s20], [sflag:$0x1], $0x10, s18, s0, $0xb8;
	[tilespmem:$0x1E440] =	vst v63  }
0x153: {  	_ = 	snop  }
0x154: {  	[spmem:s4] =	stream.indirect.scatter.add.f32 [tilespmem:s21], [sflag:$0x1], $0x10, s23, s0, $0xb8;
	[tilespmem:$0x1E440] =	vst v63  }
0x155: {  	_ = 	snop  }
0x156: {  	[spmem:s4] =	stream.indirect.scatter.add.f32 [tilespmem:s28], [sflag:$0x1], $0x10, s11, s0, $0xb8;
	[tilespmem:$0x1E440] =	vst v63  }
0x157: {  	_ =	swait.ge [sflag:s1], $0x800  }
0x158: {  	[sflag:s1] =	ssyncset.done $0x0  }
0x159: {  	[sflag:s1] =	ssyncadd.s32 $0xFFFFF800  }
0x15a: {  	_ =	swait.ge [sflag:s1], $0x800  }
0x15b: {  	[sflag:s1] =	ssyncset.done $0x0  }
0x15c: {  	[sflag:s1] =	ssyncadd.s32 $0xFFFFF800  }
0x15d: {  	_ =	swait.ge [sflag:s1], $0x800  }
0x15e: {  	[sflag:s1] =	ssyncset.done $0x0  }
0x15f: {  	[sflag:s1] =	ssyncadd.s32 $0xFFFFF800  }
0x160: {  	_ =	swait.ge [sflag:s1], $0x800  }
0x161: {  	[sflag:s1] =	ssyncset.done $0x0  }
0x162: {  	[sflag:s1] =	ssyncadd.s32 $0xFFFFF800  }
0x163: {  	_ =	swait.ge [sflag:s1], $0x800  }
0x164: {  	[sflag:s1] =	ssyncset.done $0x0  }
0x165: {  	[sflag:s1] =	ssyncadd.s32 $0xFFFFF800  }
0x166: {  	_ =	swait.ge [sflag:s1], $0x800  }
0x167: {  	[sflag:s1] =	ssyncset.done $0x0  }
0x168: {  	[sflag:s1] =	ssyncadd.s32 $0xFFFFF800  }
0x169: {  	_ =	swait.ge [sflag:s1], $0x800  }
0x16a: {  	[sflag:s1] =	ssyncset.done $0x0  }
0x16b: {  	[sflag:s1] =	ssyncadd.s32 $0xFFFFF800  }
0x16c: {  	_ =	swait.ge [sflag:s1], $0x800  }
0x16d: {  	[sflag:s1] =	ssyncset.done $0x0  }
0x16e: {  	[sflag:s1] =	ssyncadd.s32 $0xFFFFF800  }
0x16f: {  	_ =	swait.ge [sflag:s1], $0x800  }
0x170: {  	[sflag:s1] =	ssyncset.done $0x0  }
0x171: {  	[sflag:s1] =	ssyncadd.s32 $0xFFFFF800  }
0x172: {  	_ =	swait.ge [sflag:s1], $0x800  }
0x173: {  	[sflag:s1] =	ssyncset.done $0x0  }
0x174: {  	[sflag:s1] =	ssyncadd.s32 $0xFFFFF800  }
0x175: {  	_ =	swait.ge [sflag:s1], $0x800  }
0x176: {  	[sflag:s1] =	ssyncset.done $0x0  }
0x177: {  	[sflag:s1] =	ssyncadd.s32 $0xFFFFF800  }
0x178: {  	_ =	swait.ge [sflag:s1], $0x800  }
0x179: {  	[sflag:s1] =	ssyncset.done $0x0  }
0x17a: {  	[sflag:s1] =	ssyncadd.s32 $0xFFFFF800  }
0x17b: {  	_ =	swait.ge [sflag:s1], $0x800  }
0x17c: {  	[sflag:s1] =	ssyncset.done $0x0  }
0x17d: {  	[sflag:s1] =	ssyncadd.s32 $0xFFFFF800  }
0x17e: {  	_ =	swait.ge [sflag:s1], $0x800  }
0x17f: {  	[sflag:s1] =	ssyncset.done $0x0  }
0x180: {  	[sflag:s1] =	ssyncadd.s32 $0xFFFFF800  }
0x181: {  	_ =	swait.ge [sflag:s1], $0x800  }
0x182: {  	s8 =	sadd.s32 $0x1, s8;
	[sflag:s1] =	ssyncset.done $0x0  }
0x183: {  	p0 =	sne.s32 s8, $0x20;
	[sflag:s1] =	ssyncadd.s32 $0xFFFFF800  }
.Ltmp9:
0x184: {  	_ =	swait.ge [sflag:s1], $0x800;
	(pc) =	sbr.rel @p0 .LBB2_16-.Ltmp9, $4  }
0x185: {  	s10 =	sor.u32 s13, s10;
	[sflag:s1] =	ssyncset.done $0x0  }
0x186: {  	s9 =	sshrl.u32 s9, $0x3;
	s10 =	sshll.u32 s10, $0x1;
	[sflag:s1] =	ssyncadd.s32 $0xFFFFF800  }
0x187: {  	s10 =	sadd.s32 s7, s10;
	s19 =	sor.u32 $0x1C03, s2;
	[bflag:$0x0] =	sbarrier.arrive $0xFFFF  }
0x188: {  	[hbm:s10], [sflag:s19] =	dma.local [spmem:s9], $0x800  }
0x189: {  	s10 =	simm.s32 $0x3  }
0x18a: {  	_ =	swait.ge [sflag:s10], $0x800  }
0x18b: {  	[sflag:s10] =	ssyncset.done $0x0  }
0x18c: {  	[sflag:s10] =	ssyncadd.s32 $0xFFFFF800  }
0x18d: {  	_ =	swait.ge [sflag:s10], $0x800  }
0x18e: {  	[sflag:s10] =	ssyncset.done $0x0  }
0x18f: {  	s8 =	simm.s32 $0x4;
	[sflag:s10] =	ssyncadd.s32 $0xFFFFF800  }
0x190: {  	_ =	swait.ge [sflag:s8], $0x1000  }
0x191: {  	s9 =	rddreg [dreg:$0x15]  }
0x192: {  	s2 =	rddreg [dreg:$0xd];
	s9 =	sadd.s32 $0x1, s9  }
0x193: {  	p0 =	sne.s32 s9, s2  }
.Ltmp10:
0x194: {  	_ = 	snop;
	(pc) =	sbr.rel @p0 .LBB2_1-.Ltmp10, $4  }
0x195: {  	_ = 	snop  }
0x196: {  	[sflag:s8] =	ssyncset.done $0x0  }
0x197: {  	s18 =	rddreg [dreg:$0xb];
	[sflag:s8] =	ssyncadd.s32 $0xFFFFF000  }
0x198: {  	s17 =	rddreg [dreg:$0x5]  }
0x199: {  	_ =	sfence.sel $0x180000  }
0x19a: {  	[bflag:$0x0] =	sbarrier.arrive $0xFFFF  }
0x19b: {  	_ =	strace $0x90000047  }
0x19c: {  	s0 =	stileid.u32;
	[bflag:$0x2] =	sbarrier.arrive $0xFFFF  }
0x19d: {  	p0 =	sne.s32 s0, $0x0;
	s0 =	rddreg [dreg:$0x7]  }
0x19e: {  	s0 =	sadd.s32 @!p0 $0x100000, s0  }
0x19f: {  	[sflag:s0] =	ssyncadd.tile.s32 @!p0 $0x1;
	_ =	shalt  }
.Lfunc_end2:
_tile_overlayer_lowered:
.L_overlay_start_2:
0x1a0: {  	(tag) =	ssettag $0x2  }
0x1a1: {  	s0 =	rddreg [dreg:$0x0];
	s2 =	stileid.u32  }
0x1a2: {  	s1 =	rddreg [dreg:$0x1];
	p0 =	sne.s32 s2, $0x0  }
0x1a3: {  	s3 =	rddreg [dreg:$0x2];
	[bflag:$0x3] =	sbarrier.arrive $0xFFFF;
	s2 =	simm.s32 @!p0 $0x1C05  }
0x1a4: {  	[timem:s3], [sflag:s2] =	dma.local @!p0 [hbm:s0], s1  }
0x1a5: {  	s0 =	simm.s32 @!p0 $0x5  }
0x1a6: {  	_ =	swait.ge @!p0 [sflag:s0], s1  }
0x1a7: {  	s1 =	ssub.s32 @!p0 $0x0, s1;
	[sflag:s0] =	ssyncset.done @!p0 $0x0  }
0x1a8: {  	[sflag:s0] =	ssyncadd.s32 @!p0 s1  }
0x1a9: {  	[bflag:$0x3] =	sbarrier.arrive $0xFFFF  }
0x1aa: {  	_ =	shalt  }

// kernel: sparse-core-data-format-call.cloned.1.call-start
scs
called_computation_lowered:
.L_overlay_start_0:
0x0: {  	s2 =	sld [smem:$0x3FD9]  }
0x1: {  	s3 =	sld [smem:$0x3FFE];
	_ =	sdelay $0x1  }
0x2: {  	s1 =	srdreg.scid  }
0x3: {  	s0 =	sand.u32 $0x1, s1  }
0x4: {  	s15 =	sshll.u32 s0, $0xA;
	s2 =	sadd.s32 s3, s2  }
0x5: {  	s2 =	sadd.s32 s2, s15  }
0x6: {  	[smem:$0x3FBC] =	sst s2  }
0x7: {  	_ = 	snop  }
0x8: {  	s2 =	sld [smem:$0x3FD0];
	_ =	sdelay $0x2  }
0x9: {  	s16 =	simm.s32 $0xA;
	s4 =	simm.s32 $0x10  }
0xa: {  	[smem:s4], [sflag:s16] =	dma.local [hbm:s2], $0x1  }
0xb: {  	_ =	swait.eq [sflag:s16], $0x1  }
0xc: {  	[sflag:s16] =	ssyncset.done $0x0  }
0xd: {  	[sflag:s16] =	ssyncadd.s32 $0xFFFFFFFF  }
0xe: {  	s17 =	sld [smem:$0x12];
	(tm) =	ssettm $0x1  }
0xf: {  	s18 =	sld [smem:$0x3FFB];
	_ =	sdelay $0x3  }
0x10: {  	_ =	strace s18  }
0x11: {  	s3 =	sld [smem:$0x3FFC];
	_ =	sdelay $0x3  }
0x12: {  	_ =	strace s3  }
0x13: {  	s3 =	sld [smem:$0x3FFD];
	_ =	sdelay $0x3  }
0x14: {  	_ =	strace s3  }
0x15: {  	_ =	strace $0x8FFFFFFF  }
0x16: {  	s19 =	sld [smem:$0x3FDB];
	_ =	sdelay $0x1  }
0x17: {  	s20 =	simm.s32 $_scs_section_size  }
0x18: {  	s5 =	simm.s32 $_size__tile_overlayer_lowered;
	s6 =	simm.s32 $_tile_overlayer_lowered  }
0x19: {  	s23 =	simm.s32 $0x1BFF;
	s22 =	sshll.u32 s6, $0x1;
	s3 =	sadd.s32 s20, s19  }
0x1a: {  	s7 =	simm.s32 $0x0;
	s21 =	sshll.u32 s5, $0x1;
	s5 =	sadd.s32 s22, s3  }
0x1b: {  	[timem:s7], [sflag:s23] =	dma.local [hbm:s5], s21  }
0x1c: {  	_ =	swait.ge [sflag:s23], s21  }
0x1d: {  	s4 =	ssub.s32 $0x0, s21;
	[sflag:s23] =	ssyncset.done $0x0  }
0x1e: {  	[sflag:s23] =	ssyncadd.s32 s4;
	_ =	sdelay $0x1  }
0x1f: {  	s24 =	simm.s32 $0x1B8B  }
0x20: {  	_ =	swait.ge [sflag:s24], $0x1  }
0x21: {  	[sflag:s24] =	ssyncset.done $0x0  }
0x22: {  	s26 =	simm.s32 $0x1B8E;
	s25 =	sld [smem:$0x3FFE];
	[sflag:s24] =	ssyncadd.s32 $0xFFFFFFFF  }
0x23: {  	s27 =	simm.s32 $execute0_lowered;
	[smem:$0x3FD2] =	sst s26  }
0x24: {  	s5 =	sshll.u32 s27, $0x1;
	_ =	strace $0x80000049;
	[dreg:$0x1] =	wrdreg $0xFFFFFFFF  }
0x25: {  	s28 =	simm.s32 $_size_execute0_lowered;
	s3 =	sadd.s32 s3, s5;
	[dreg:$0x0] =	wrdreg $0x0  }
0x26: {  	s5 =	sshll.u32 s28, $0x1;
	[dreg:$0x2] =	wrdreg s3  }
0x27: {  	[dreg:$0x3] =	wrdreg s5  }
0x28: {  	[dreg:$0x4] =	wrdreg $0xC0  }
0x29: {  	_ =	task [dreg:s7], $0x5FFFF  }
0x2a: {  	[dreg:$0x1] =	wrdreg $0xFFFFFFFF  }
0x2b: {  	[dreg:$0x0] =	wrdreg $0x60  }
0x2c: {  	[dreg:$0x2] =	wrdreg s25  }
0x2d: {  	[dreg:$0x3] =	wrdreg s17  }
0x2e: {  	[dreg:$0x4] =	wrdreg $0x9  }
0x2f: {  	_ =	task.clear_ibuf [dreg:s7], $0x5FFFF;
	_ =	strace $0x90000049  }
0x30: {  	s29 =	simm.s32 $0x9;
	_ =	strace $0x8000004B  }
0x31: {  	_ =	swait.ge [sflag:s29], $0x1  }
0x32: {  	[sflag:s29] =	ssyncadd.s32 $0xFFFFFFFF  }
0x33: {  	_ =	strace $0x9000004B  }
0x34: {  	_ =	sfence  }
0x35: {  	s30 =	sld [smem:$0x0];
	_ =	sdelay $0x2  }
0x36: {  	s31 =	sshll.u32 s1, $0xD;
	s1 =	sshrl.u32 s1, $0x2  }
0x37: {  	s3 =	sand.u32 $0x4000, s31;
	s1 =	sadd.s32 s1, s30  }
0x38: {  	s0 =	sor.u32 s3, s0;
	s1 =	sshll.u32 s1, $0x11  }
0x39: {  	s0 =	sor.u32 s1, s0  }
0x3a: {  	s0 =	sadd.s32 $0x8F2B, s0  }
0x3b: {  	[sflag:s0] =	ssyncadd.remote.s32 $0x1  }
0x3c: {  	_ =	sfence.sel $0xFFFF  }
0x3d: {  	[dreg:$0x0] =	wrdreg $0xFFFFFFFF;
	(pc) =	sbr.abs _section_cstart, $3  }
0x3e: {  	[dreg:$0x1] =	wrdreg $0xFFFFFFFF  }
0x3f: {  	_ =	task.clear_ibuf [dreg:s7], $0x2FFFF;
	_ =	strace $0x9FFFFFFF  }
0x40: {  	(tm) =	ssettm $0x7FFFFFFF  }
0x41: {  	_ =	shalt  }
tec
execute0_lowered:
.L_overlay_start_1:
0x0: {  	(tag) =	ssettag $0x1  }
0x1: {  	s14 =	rddreg [dreg:$0x0]  }
0x2: {  	s2 =	rddreg [dreg:$0x1];
	s1 =	stileid.u32  }
0x3: {  	s3 =	srdreg.scid;
	s0 =	rddreg [dreg:$0x2];
	_ =	strace $0x8000004A  }
0x4: {  	s5 =	simm.s32 $0x1;
	s7 =	simm.s32 $0x2;
	s10 =	simm.s32 $0x1  }
0x5: {  	s21 =	simm.s32 $0x0;
	s16 =	simm.s32 $0x1000;
	s22 =	simm.s32 $0x0  }
0x6: {  	s23 =	simm.s32 $0x0;
	s4 =	sshll.u32 s1, $0x1;
	s3 =	sshll.u32 s3, $0x5  }
0x7: {  	s17 =	simm.s32 $0x0;
	s20 =	simm.s32 $0x0;
	s4 =	sor.u32 s4, s3  }
0x8: {  	[sflag:s5] =	ssyncpa.u1 $0x0;
	s12 =	sadd.s32 $0x22C400, s14;
	s4 =	sand.u32 $0x38, s4  }
0x9: {  	s6 =	sand.u32 $0x3, s1;
	s13 =	sadd.s32 $0x22E400, s14;
	s8 =	ssub.s32 $0x200, s4  }
0xa: {  	s3 =	sadd.s32 $0x222400, s14;
	[sflag:s7] =	ssyncpa.u1 $0x0;
	s31 =	sand.u32 $0x38, s8  }
.Ltmp0:
0xb: {  	s7 =	sadd.s32 $0x224400, s14;
	p0 =	sne.s32 s31, $0x0;
	(pc) =	sbr.rel .LBB1_1-.Ltmp0, $4  }
0xc: {  	s19 =	smov.u32 s6;
	s9 =	sshrl.u32 s8, $0x6;
	s10 =	simm.s32 @!p0 $0x0  }
0xd: {  	s18 =	smov.u32 s4;
	s8 =	sadd.s32 $0x226400, s14;
	s11 =	sadd.s32 s10, s9  }
0xe: {  	p0 =	por $0x0, $0x0;
	s9 =	sadd.s32 $0x228400, s14;
	s11 =	sshll.u32 s11, $0x2  }
0xf: {  	s10 =	sadd.s32 $0x22A400, s14;
	s14 =	sadd.s32 $0x230400, s14;
	s15 =	sor.u32 $0x1, s11  }
.LBB1_7:
0x10: {  	s24 =	sadd.s32 $0x80, s17  }
0x11: {  	s21 =	sadd.s32 $0x40, s18;
	s25 =	smov.u32 s18;
	p2 =	sgt.s32 s24, $0x1FF  }
0x12: {  	s25 =	smov.u32 @p2 s21  }
0x13: {  	s27 =	smov.u32 s19;
	s21 =	sadd.s32 $0x4, s19;
	p3 =	sgt.s32 s25, $0x1FF  }
0x14: {  	s27 =	smov.u32 @p3 s21  }
0x15: {  	s24 =	simm.s32 @p2 $0x0;
	p2 =	sgt.s32 s27, $0x3  }
0x16: {  	p1 =	slt.u32 s20, $0x2;
	s27 =	smov.u32 @p2 s6;
	p2 =	sne.s32 s20, s15  }
.Ltmp1:
0x17: {  	s26 =	simm.s32 @!p1 $0x2;
	(pc) =	sbr.rel @!p2 .LBB1_8-.Ltmp1, $4  }
0x18: {  	s22 =	smov.u32 s18;
	s23 =	smov.u32 s19;
	_ =	swait.ge @!p1 [sflag:s26], $0x4000  }
0x19: {  	p0 =	por !p0, !p0;
	[sflag:s26] =	ssyncset.done @!p1 $0x0;
	s25 =	smov.u32 @p3 s4  }
0x1a: {  	s21 =	smov.u32 s17;
	[sflag:s26] =	ssyncadd.s32 @!p1 $0xFFFFC000;
	s17 =	smov.u32 s24  }
0x1b: {  	s18 =	smov.u32 s25;
	s20 =	sadd.s32 $0x1, s20;
	s19 =	smov.u32 s27  }
.LBB1_1:
0x1c: {  	p1 =	sge.u32 s20, s11  }
0x1d: {  	s24 =	sxor.u32 @!p1 $0xFFFFFFFF, s20;
	s25 =	sshll.u32 @!p1 s19, $0x16;
	s26 =	sshll.u32 @!p1 s18, $0xD  }
0x1e: {  	s28 =	sshll.u32 @!p1 s17, $0x4;
	s29 =	simm.s32 @!p1 $0x10;
	s27 =	sadd.s32 @!p1 s25, s26  }
0x1f: {  	s24 =	sshll.u32 @!p1 s24, $0xE;
	s28 =	sand.u32 @!p1 $0x1FF0, s28;
	s27 =	sadd.s32 @!p1 s3, s27  }
0x20: {  	s30 =	simm.s32 @!p1 $0x80;
	s24 =	sand.u32 @!p1 $0x4000, s24;
	s27 =	sadd.s32 @!p1 s28, s27  }
0x21: {  	[tilespmem:s24], [sflag:$0x1] =	stream.strided.gather @!p1 [hbm4b:s27+s29], $0x800, s30, s29, $0x38;
	[tilespmem:$0x10100] =	vst v63  }
0x22: {  	s27 =	sadd.s32 @!p1 s25, s7  }
0x23: {  	s27 =	sadd.s32 @!p1 s26, s27  }
0x24: {  	s31 =	sor.u32 @!p1 $0x800, s24;
	s27 =	sadd.s32 @!p1 s28, s27  }
0x25: {  	[tilespmem:s31], [sflag:$0x1] =	stream.strided.gather @!p1 [hbm4b:s27+s29], $0x800, s30, s29, $0x38;
	[tilespmem:$0x10100] =	vst v63  }
0x26: {  	s27 =	sadd.s32 @!p1 s25, s8  }
0x27: {  	s27 =	sadd.s32 @!p1 s26, s27  }
0x28: {  	s31 =	sor.u32 @!p1 $0x1000, s24;
	s27 =	sadd.s32 @!p1 s28, s27  }
0x29: {  	[tilespmem:s31], [sflag:$0x1] =	stream.strided.gather @!p1 [hbm4b:s27+s29], $0x800, s30, s29, $0x38;
	[tilespmem:$0x10100] =	vst v63  }
0x2a: {  	s27 =	sadd.s32 @!p1 s25, s9  }
0x2b: {  	s27 =	sadd.s32 @!p1 s26, s27  }
0x2c: {  	s31 =	sor.u32 @!p1 $0x1800, s24;
	s27 =	sadd.s32 @!p1 s28, s27  }
0x2d: {  	[tilespmem:s31], [sflag:$0x1] =	stream.strided.gather @!p1 [hbm4b:s27+s29], $0x800, s30, s29, $0x38;
	[tilespmem:$0x10100] =	vst v63  }
0x2e: {  	s27 =	sadd.s32 @!p1 s25, s10  }
0x2f: {  	s27 =	sadd.s32 @!p1 s26, s27  }
0x30: {  	s31 =	sor.u32 @!p1 $0x2000, s24;
	s27 =	sadd.s32 @!p1 s28, s27  }
0x31: {  	[tilespmem:s31], [sflag:$0x1] =	stream.strided.gather @!p1 [hbm4b:s27+s29], $0x800, s30, s29, $0x38;
	[tilespmem:$0x10100] =	vst v63  }
0x32: {  	s27 =	sadd.s32 @!p1 s25, s12  }
0x33: {  	s27 =	sadd.s32 @!p1 s26, s27  }
0x34: {  	s31 =	sor.u32 @!p1 $0x2800, s24;
	s27 =	sadd.s32 @!p1 s28, s27  }
0x35: {  	[tilespmem:s31], [sflag:$0x1] =	stream.strided.gather @!p1 [hbm4b:s27+s29], $0x800, s30, s29, $0x38;
	[tilespmem:$0x10100] =	vst v63  }
0x36: {  	s27 =	sadd.s32 @!p1 s25, s13  }
0x37: {  	s25 =	sadd.s32 @!p1 s25, s14;
	s27 =	sadd.s32 @!p1 s26, s27  }
0x38: {  	s31 =	sor.u32 @!p1 $0x3000, s24;
	s25 =	sadd.s32 @!p1 s26, s25;
	s27 =	sadd.s32 @!p1 s28, s27  }
0x39: {  	[tilespmem:s31], [sflag:$0x1] =	stream.strided.gather @!p1 [hbm4b:s27+s29], $0x800, s30, s29, $0x38;
	[tilespmem:$0x10100] =	vst v63  }
0x3a: {  	s24 =	sor.u32 @!p1 $0x3800, s24;
	s25 =	sadd.s32 @!p1 s28, s25;
	s31 =	sadd.s32 $0xFFFFFFFF, s20  }
0x3b: {  	[tilespmem:s24], [sflag:$0x1] =	stream.strided.gather @!p1 [hbm4b:s25+s29], $0x800, s30, s29, $0x38;
	[tilespmem:$0x10100] =	vst v63  }
0x3c: {  	p1 =	sge.u32 s31, s11  }
.Ltmp2:
0x3d: {  	_ = 	snop;
	(pc) =	sbr.rel @p1 .LBB1_7-.Ltmp2, $1  }
0x3e: {  	_ =	sdelay $0x3  }
0x3f: {  	s24 =	simm.s32 $0x1;
	s26 =	sand.u32 $0x1, s20  }
0x40: {  	_ =	swait.ge [sflag:s5], $0x4000;
	s24 =	simm.s32 @!p0 $0x0;
	s27 =	smul.u32 $0x10200, s26  }
0x41: {  	[sflag:s5] =	ssyncset.done $0x0;
	s25 =	smul.u32 $0x10200, s24  }
0x42: {  	s24 =	sshll.u32 s24, $0xE;
	[sflag:s5] =	ssyncadd.s32 $0xFFFFC000  }
0x43: {  	s26 =	sor.u32 $0x40, s24;
	s31 =	sshrl.u32 s27, $0x2;
	s25 =	sshrl.u32 s25, $0x2  }
0x44: {  	s27 =	simm.s32 $0x0;
	s24 =	sor.u32 $0x8000, s31;
	s25 =	sor.u32 $0x8007, s25  }
.LBB1_3:
0x45: {  	v3 =	vld [tilespmem:s26+$0x30]  }
0x46: {  	v4 =	vld [tilespmem:s26+$0xFFFFFFD0]  }
0x47: {  	v5 =	vld [tilespmem:s26+$0xFFFFFFE0]  }
0x48: {  	v1 =	vld [tilespmem:s26+$0xFFFFFFF0]  }
0x49: {  	v0 =	vld [tilespmem:s26+$0x0]  }
0x4a: {  	v2 =	vld [tilespmem:s26+$0x10];
	[tilespmem:s25+$0x0 ss:$0x81] =	vst.msk $0xffff, v3  }
0x4b: {  	[tilespmem:s25+$0xFFFFFFFA ss:$0x81] =	vst.msk $0xffff, v4;
	v4 =	vld [tilespmem:s26+$0x20]  }
0x4c: {  	s29 =	simm.s32 $0x0;
	s30 =	sadd.s32 $0x80, s26;
	s28 =	smov.u32 s25;
	v3 =	vld [tilespmem:s26+$0xFFFFFFC0];
	[tilespmem:s25+$0xFFFFFFFB ss:$0x81] =	vst.msk $0xffff, v5  }
.LBB1_4:
0x4d: {  	v5 =	vld [tilespmem:s30+$0x30];
	s29 =	sadd.s32 $0x8, s29;
	[tilespmem:s28+$0xFFFFFFFC ss:$0x81] =	vst.msk $0xffff, v1  }
0x4e: {  	v6 =	vld [tilespmem:s30+$0xFFFFFFD0];
	p1 =	slt.u32 s29, $0x78;
	[tilespmem:s28+$0xFFFFFFFD ss:$0x81] =	vst.msk $0xffff, v0  }
0x4f: {  	v7 =	vld [tilespmem:s30+$0xFFFFFFE0];
	[tilespmem:s28+$0xFFFFFFFE ss:$0x81] =	vst.msk $0xffff, v2  }
.Ltmp3:
0x50: {  	v1 =	vld [tilespmem:s30+$0xFFFFFFF0];
	[tilespmem:s28+$0xFFFFFFFF ss:$0x81] =	vst.msk $0xffff, v4;
	(pc) =	sbr.rel @p1 .LBB1_4-.Ltmp3, $4  }
0x51: {  	v0 =	vld [tilespmem:s30+$0x0];
	[tilespmem:s28+$0xFFFFFFF9 ss:$0x81] =	vst.msk $0xffff, v3;
	s28 =	sadd.s32 $0x8, s28  }
0x52: {  	v2 =	vld [tilespmem:s30+$0x10];
	[tilespmem:s28+$0x0 ss:$0x81] =	vst.msk $0xffff, v5  }
0x53: {  	[tilespmem:s28+$0xFFFFFFFA ss:$0x81] =	vst.msk $0xffff, v6;
	v4 =	vld [tilespmem:s30+$0x20]  }
0x54: {  	v3 =	vld [tilespmem:s30+$0xFFFFFFC0];
	[tilespmem:s28+$0xFFFFFFFB ss:$0x81] =	vst.msk $0xffff, v7;
	s30 =	sadd.s32 $0x80, s30  }
0x55: {  	s27 =	sadd.s32 $0x1, s27  }
0x56: {  	p1 =	sne.s32 s27, $0x8  }
.Ltmp4:
0x57: {  	[tilespmem:s28+$0xFFFFFFFC ss:$0x81] =	vst.msk $0xffff, v1;
	(pc) =	sbr.rel @p1 .LBB1_3-.Ltmp4, $4  }
0x58: {  	[tilespmem:s28+$0xFFFFFFFD ss:$0x81] =	vst.msk $0xffff, v0  }
0x59: {  	[tilespmem:s28+$0xFFFFFFFE ss:$0x81] =	vst.msk $0xffff, v2  }
0x5a: {  	[tilespmem:s28+$0xFFFFFFFF ss:$0x81] =	vst.msk $0xffff, v4  }
0x5b: {  	s25 =	sadd.s32 $0x810, s25;
	s26 =	sadd.s32 $0x800, s26;
	[tilespmem:s28+$0xFFFFFFF9 ss:$0x81] =	vst.msk $0xffff, v3  }
0x5c: {  	s23 =	sshll.u32 s23, $0x13;
	s25 =	sand.u32 $0x380, s21  }
.Ltmp5:
0x5d: {  	s22 =	sshll.u32 s22, $0xA;
	s23 =	sadd.s32 s2, s23;
	(pc) =	sbr.rel .LBB1_7-.Ltmp5, $4  }
0x5e: {  	s26 =	sshrl.u32 s21, $0x3;
	s30 =	sand.u32 $0x7, s21;
	s22 =	sadd.s32 s22, s23  }
0x5f: {  	s31 =	sand.u32 $0xF, s26;
	s21 =	sshll.u32 s30, $0x12;
	s22 =	sadd.s32 s25, s22  }
0x60: {  	s21 =	sor.u32 $0x400, s21;
	s22 =	sadd.s32 s31, s22  }
0x61: {  	[hbm4b:s22+s21] =	stream.strided.scatter [tilespmem:s24], [sflag:$0x2], $0x4000, s16, s21, $0x20;
	[tilespmem:$0x10100] =	vst v63  }
.LBB1_8:
0x62: {  	_ =	sfence.sel $0x180000  }
0x63: {  	s2 =	simm.s32 $0x1;
	[bflag:$0x0] =	sbarrier.arrive $0xFFFF  }
0x64: {  	s31 =	simm.s32 $0x2;
	[sflag:s2] =	ssyncpa.u1 $0x1  }
0x65: {  	[sflag:s31] =	ssyncpa.u1 $0x1  }
0x66: {  	p0 =	sne.s32 s1, $0x0;
	_ =	strace $0x9000004A  }
0x67: {  	s0 =	sadd.s32 @!p0 $0x100000, s0;
	[bflag:$0x2] =	sbarrier.arrive $0xFFFF  }
0x68: {  	[sflag:s0] =	ssyncadd.tile.s32 @!p0 $0x1;
	_ =	shalt  }
.Lfunc_end1:
_tile_overlayer_lowered:
.L_overlay_start_2:
0x69: {  	(tag) =	ssettag $0x2  }
0x6a: {  	s0 =	rddreg [dreg:$0x0];
	s2 =	stileid.u32  }
0x6b: {  	s1 =	rddreg [dreg:$0x1];
	p0 =	sne.s32 s2, $0x0  }
0x6c: {  	s3 =	rddreg [dreg:$0x2];
	[bflag:$0x3] =	sbarrier.arrive $0xFFFF;
	s2 =	simm.s32 @!p0 $0x1C01  }
0x6d: {  	[timem:s3], [sflag:s2] =	dma.local @!p0 [hbm:s0], s1  }
0x6e: {  	s0 =	simm.s32 @!p0 $0x1  }
0x6f: {  	_ =	swait.ge @!p0 [sflag:s0], s1  }
0x70: {  	s1 =	ssub.s32 @!p0 $0x0, s1;
	[sflag:s0] =	ssyncset.done @!p0 $0x0  }
0x71: {  	[sflag:s0] =	ssyncadd.s32 @!p0 s1  }
0x72: {  	[bflag:$0x3] =	sbarrier.arrive $0xFFFF  }
0x73: {  	_ =	shalt  }

</sc_bundles>
